<compile_context>
chip_gen: v7x
topology: tpu7x:2x2x1
jax: 0.10.2.dev20260603
libtpu: 0.0.44.dev20260713+nightly
codegen_flags: <defaults>
</compile_context>

<pallas_src>
import functools

import jax
import jax.numpy as jnp
from jax import lax
from jax.experimental import pallas as pl
from jax.experimental.pallas import tpu as pltpu
from jax.experimental.pallas import tpu_sc as plsc

N = 10000
NPAD = 10240
E = 320000
D1 = 144
D2 = 16
NC = 2
NS = 16
NW = NC * NS
EPW = E // NW
C = 100
NCH = EPW // C
IB = 20
NIB = NCH // IB
RPS = NPAD // NS


def _f32(*shape):
    return jax.ShapeDtypeStruct(shape, jnp.float32)


def _sc_segsum(p_pad, e4, zeros, width, nbuf, sync_scat):
    mesh = plsc.VectorSubcoreMesh(core_axis_name="c", subcore_axis_name="s")
    n_ssem = 0 if sync_scat else nbuf

    @functools.partial(
        pl.kernel,
        out_type=_f32(2 * NPAD, width),
        mesh=mesh,
        scratch_types=(
            [pltpu.VMEM((IB, C), jnp.int32)] * 2
            + [pltpu.VMEM((C, width), jnp.float32)] * nbuf
            + [pltpu.VMEM_SHARED((NPAD, width), jnp.float32)]
            + [pltpu.SemaphoreType.DMA] * (nbuf + n_ssem)
        ),
        compiler_params=pltpu.CompilerParams(use_tc_tiling_on_sc=False),
    )
    def k(p_hbm, e_hbm, z_hbm, out_hbm, src_v, dst_v, *rest):
        bufs = rest[:nbuf]
        acc_sh = rest[nbuf]
        gsems = rest[nbuf + 1:2 * nbuf + 1]
        ssems = rest[2 * nbuf + 1:]
        cid = lax.axis_index("c")
        sid = lax.axis_index("s")
        wid = sid * NC + cid
        pltpu.sync_copy(z_hbm.at[pl.ds(sid * RPS, RPS)],
                        acc_sh.at[pl.ds(sid * RPS, RPS)])
        plsc.subcore_barrier()

        def gather(j, t):
            pltpu.async_copy(p_hbm.at[src_v.at[j]], bufs[t], gsems[t])

        def gdrain(t):
            pltpu.make_async_copy(p_hbm.at[src_v.at[0]], bufs[t],
                                  gsems[t]).wait()

        def sdrain(t):
            pltpu.make_async_copy(bufs[t], acc_sh.at[dst_v.at[0]],
                                  ssems[t]).wait()

        def block(b, carry):
            pltpu.sync_copy(e_hbm.at[0, wid, pl.ds(b * IB, IB)], src_v)
            pltpu.sync_copy(e_hbm.at[1, wid, pl.ds(b * IB, IB)], dst_v)
            for t in range(nbuf):
                gather(t, t)

            def body(i, c2):
                j = nbuf * i
                for t in range(nbuf):
                    gdrain(t)
                    if sync_scat:
                        pltpu.sync_copy(bufs[t], acc_sh.at[dst_v.at[j + t]],
                                        add=True)

                        def _nxt(t=t, j=j):
                            gather(j + t + nbuf, t)
                    else:
                        pltpu.async_copy(bufs[t], acc_sh.at[dst_v.at[j + t]],
                                         ssems[t], add=True)

                        def _nxt(t=t, j=j):
                            sdrain(t)
                            gather(j + t + nbuf, t)

                    pl.when(j + t + nbuf < IB)(_nxt)
                return c2

            lax.fori_loop(0, IB // nbuf, body, 0)
            if not sync_scat:
                for t in range(nbuf):
                    sdrain(t)
            return carry

        lax.fori_loop(0, NIB, block, 0)
        plsc.subcore_barrier()
        pltpu.sync_copy(acc_sh.at[pl.ds(sid * RPS, RPS)],
                        out_hbm.at[pl.ds(cid * NPAD + sid * RPS, RPS)])

    return k(p_pad, e4, zeros)


def _softplus(v):
    return jnp.maximum(v, 0.0) + jnp.log1p(jnp.exp(-jnp.abs(v)))


def _tc_mid(parts, x, w1p, wr1p, b1p):
    def body(parts_ref, x_ref, w_ref, wr_ref, b_ref, o_ref):
        s = parts_ref[0:N, :] + parts_ref[NPAD:NPAD + N, :]
        den = jnp.maximum(s[:, 128:129], 1.0)
        mean1 = s[:, 0:128] / den
        h1 = _softplus(jnp.dot(mean1, w_ref[...],
                               preferred_element_type=jnp.float32)
                       + b_ref[...]
                       + jnp.dot(x_ref[...], wr_ref[...],
                                 preferred_element_type=jnp.float32))
        lane = lax.broadcasted_iota(jnp.int32, (N, D2), 1)
        o_ref[...] = jnp.where(lane == D2 - 1, 1.0, h1)

    return pl.pallas_call(
        body, out_shape=_f32(N, D2),
    )(parts, x, w1p, wr1p, b1p)


def _tc_head(parts, h1p, w2p, wr2p, b2p, fc1p, fc1bp, fc2p, fc2bp):
    def body(parts_ref, h1_ref, w_ref, wr_ref, b_ref, w3_ref, b3_ref,
             w4_ref, b4_ref, o_ref):
        s = parts_ref[0:N, :] + parts_ref[NPAD:NPAD + N, :]
        den = jnp.maximum(s[:, D2 - 1:D2], 1.0)
        mean2 = s / den
        h2 = _softplus(jnp.dot(mean2, w_ref[...],
                               preferred_element_type=jnp.float32)
                       + b_ref[...]
                       + jnp.dot(h1_ref[...], wr_ref[...],
                                 preferred_element_type=jnp.float32))
        h3 = _softplus(jnp.dot(h2, w3_ref[...],
                               preferred_element_type=jnp.float32)
                       + b3_ref[...])
        oo = jnp.dot(h3, w4_ref[...],
                     preferred_element_type=jnp.float32) + b4_ref[...]
        col = oo[:, 0:1]
        o_ref[...] = col - jnp.min(col)

    return pl.pallas_call(
        body, out_shape=_f32(N, 1),
    )(parts, h1p, w2p, wr2p, b2p, fc1p, fc1bp, fc2p, fc2bp)


def _pad2(a, rows, cols):
    return jnp.pad(a, ((0, rows - a.shape[0]), (0, cols - a.shape[1])))


def kernel(x, edge_index, W_rel1, b_rel1, W_root1, W_rel2, b_rel2, W_root2,
           fc1_W, fc1_b, fc2_W, fc2_b):
    e4 = edge_index.reshape(2, NW, NCH, C)
    zeros1 = jnp.zeros((NPAD, D1), jnp.float32)
    zeros2 = jnp.zeros((NPAD, D2), jnp.float32)

    w1p = _pad2(W_rel1, 128, D2)
    wr1p = _pad2(W_root1, 128, D2)
    b1p = _pad2(b_rel1[None, :], 1, D2)
    w2p = _pad2(W_rel2, D2, D2)
    wr2p = _pad2(W_root2, D2, D2)
    b2p = _pad2(b_rel2[None, :], 1, D2)
    fc1p = _pad2(fc1_W, D2, 128)
    fc1bp = _pad2(fc1_b[None, :], 1, 128)
    fc2p = _pad2(fc2_W, 128, 8)
    fc2bp = _pad2(fc2_b[None, :], 1, 8)

    xp = jnp.concatenate(
        [x, jnp.ones((N, 1), jnp.float32), jnp.zeros((N, D1 - 129), jnp.float32)],
        axis=1)
    parts1 = _sc_segsum(xp, e4, zeros1, D1, 2, True)
    h1p = _tc_mid(parts1, x, w1p, wr1p, b1p)
    parts2 = _sc_segsum(h1p, e4, zeros2, D2, 4, False)
    return _tc_head(parts2, h1p, w2p, wr2p, b2p, fc1p, fc1bp, fc2p, fc2bp)

# --- scband reference (transcript-rebuilt; emitter-appended) ---
"""Pipeline reference for scband-gcnprediction-net2-46084999086840 (READ-ONLY COPY).

The authoritative reference and input builder live on the scoring server;
editing this copy changes nothing except your own understanding.
"""

import jax, jax.numpy as jnp
import numpy as np

N_NODES = 10000
N_EDGES = 320000
D_IN = 128
R1 = 15
R2 = 10
N1 = 5


def _uniform(key, shape, fan_in):
    bound = 1.0 / np.sqrt(fan_in)
    return jax.random.uniform(key, shape, dtype=jnp.float32, minval=-bound, maxval=bound)


def setup_inputs(seed: int = 0) -> dict:
    key = jax.random.key(seed)
    ks = jax.random.split(key, 14)
    x = jax.random.normal(ks[0], (N_NODES, D_IN), dtype=jnp.float32)
    edge_index = jax.random.randint(ks[1], (2, N_EDGES), 0, N_NODES, dtype=jnp.int32)
    return {
        "x": x,
        "edge_index": edge_index,
        "W_rel1": _uniform(ks[2], (D_IN, R1), D_IN),
        "b_rel1": _uniform(ks[3], (R1,), D_IN),
        "W_root1": _uniform(ks[4], (D_IN, R1), D_IN),
        "W_rel2": _uniform(ks[5], (R1, R2), R1),
        "b_rel2": _uniform(ks[6], (R2,), R1),
        "W_root2": _uniform(ks[7], (R1, R2), R1),
        "fc1_W": _uniform(ks[8], (R2, N1), R2),
        "fc1_b": _uniform(ks[9], (N1,), R2),
        "fc2_W": _uniform(ks[10], (N1, 1), N1),
        "fc2_b": _uniform(ks[11], (1,), N1),
    }


def _graph_conv(x, edge_index, W_rel, b_rel, W_root):
    # PyG GraphConv with aggr='mean': out_i = lin_rel(mean_{j->i} x_j) + lin_root(x_i)
    src = edge_index[0]
    dst = edge_index[1]
    msg = jnp.take(x, src, axis=0)
    summed = jax.ops.segment_sum(msg, dst, num_segments=N_NODES)
    cnt = jax.ops.segment_sum(jnp.ones((msg.shape[0],), dtype=x.dtype), dst, num_segments=N_NODES)
    mean = summed / jnp.maximum(cnt, 1.0)[:, None]
    return mean @ W_rel + b_rel + x @ W_root


def reference(x, edge_index, W_rel1, b_rel1, W_root1, W_rel2, b_rel2, W_root2, fc1_W, fc1_b, fc2_W, fc2_b):
    h = jax.nn.softplus(_graph_conv(x, edge_index, W_rel1, b_rel1, W_root1))
    h = jax.nn.softplus(_graph_conv(h, edge_index, W_rel2, b_rel2, W_root2))
    h = jax.nn.softplus(h @ fc1_W + fc1_b)
    out = h @ fc2_W + fc2_b
    out = out - jnp.min(out)
    return out

if __name__ == "__main__":
    import jax
    _d = setup_inputs()
    print(jax.jit(kernel)(*tuple(_d.values())))

</pallas_src>

<mosaic_0001>
#map = affine_map<(d0, d1) -> (0, 0)>
#map1 = affine_map<(d0, d1) -> (0, 0, 0, 0)>
module attributes {stable_mosaic.version = 14 : i64} {
  func.func @k(%arg0: i32, %arg1: i32, %arg2: memref<10000x144xf32, #tpu.memory_space<hbm>>, %arg3: memref<2x32x100x100xi32, #tpu.memory_space<hbm>>, %arg4: memref<10240x144xf32, #tpu.memory_space<hbm>>, %arg5: memref<20480x144xf32, #tpu.memory_space<hbm>>, %arg6: memref<20x100xi32, #tpu.memory_space<vmem>>, %arg7: memref<20x100xi32, #tpu.memory_space<vmem>>, %arg8: memref<100x144xf32, #tpu.memory_space<vmem>>, %arg9: memref<100x144xf32, #tpu.memory_space<vmem>>, %arg10: memref<10240x144xf32, #tpu.memory_space<vmem_shared>>, %arg11: memref<!tpu.dma_semaphore, #tpu.memory_space<semaphore_mem>>, %arg12: memref<!tpu.dma_semaphore, #tpu.memory_space<semaphore_mem>>) attributes {dimension_semantics = [#tpu.dimension_semantics<core_parallel>, #tpu.dimension_semantics<subcore_parallel>], iteration_bounds = array<i64: 2, 16>, scalar_prefetch = 0 : i64, scratch_operands = 7 : i64, tpu.core_type = #tpu.core_type<sc_vector_subcore>, window_params = [{transform_indices = #map}, {transform_indices = #map1}, {transform_indices = #map}, {transform_indices = #map}]} {
    %mul3A = arith.constant 2 : i32
    %mul3A_0 = arith.muli %arg1, %mul3A : i32
    %add3A = arith.addi %mul3A_0, %arg0 : i32
    %mul3A_1 = arith.constant 640 : i32
    %mul3A_2 = arith.muli %arg1, %mul3A_1 : i32
    %mul3A_3 = arith.constant 640 : i32
    %mul3A_4 = arith.muli %arg1, %mul3A_3 : i32
    "tpu.region"() ({
      %run_scoped3A = tpu.sem_alloc : memref<!tpu.dma_semaphore, #tpu.memory_space<semaphore_mem>>
      %dma_start3A = arith.constant 0 : i32
      %dma_start3A_18 = tpu.memref_slice %arg10[%mul3A_4, %dma_start3A] : memref<10240x144xf32, #tpu.memory_space<vmem_shared>> -> memref<640x144xf32, #tpu.memory_space<vmem_shared>>
      %dma_start3A_19 = arith.constant 0 : i32
      %dma_start3A_20 = tpu.memref_slice %arg4[%mul3A_2, %dma_start3A_19] : memref<10240x144xf32, #tpu.memory_space<hbm>> -> memref<640x144xf32, #tpu.memory_space<hbm>>
      tpu.enqueue_dma source(%dma_start3A_20 : memref<640x144xf32, #tpu.memory_space<hbm>>) target(%dma_start3A_18 : memref<640x144xf32, #tpu.memory_space<vmem_shared>>) target_semaphore(%run_scoped3A : memref<!tpu.dma_semaphore, #tpu.memory_space<semaphore_mem>>)
      %dma_wait3A = arith.constant 0 : i32
      %dma_wait3A_21 = tpu.memref_slice %arg10[%mul3A_4, %dma_wait3A] : memref<10240x144xf32, #tpu.memory_space<vmem_shared>> -> memref<640x144xf32, #tpu.memory_space<vmem_shared>>
      %dma_wait3A_22 = arith.constant 0 : i32
      %dma_wait3A_23 = tpu.memref_slice %arg4[%mul3A_2, %dma_wait3A_22] : memref<10240x144xf32, #tpu.memory_space<hbm>> -> memref<640x144xf32, #tpu.memory_space<hbm>>
      tpu.wait_dma2 semaphore(%run_scoped3A : memref<!tpu.dma_semaphore, #tpu.memory_space<semaphore_mem>>) src(%dma_wait3A_23 : memref<640x144xf32, #tpu.memory_space<hbm>>) dst(%dma_wait3A_21 : memref<640x144xf32, #tpu.memory_space<vmem_shared>>)
      tpu.yield
    }) : () -> ()
    %barrier3A = arith.constant 0 : index
    tpu.barrier barrier_id(%barrier3A)
    %scan3A = arith.constant 0 : i32
    %scan3A_5 = arith.constant 0 : i32
    %scan3A_6 = arith.constant 5 : i32
    %scan3A_7 = arith.addi %scan3A_5, %scan3A_6 : i32
    %scan3A_8 = arith.constant 1 : i32
    scf.for %scan3A_18 = %scan3A_5 to %scan3A_7 step %scan3A_8  : i32 {
      %mul3A_19 = arith.constant 20 : i32
      %mul3A_20 = arith.muli %scan3A_18, %mul3A_19 : i32
      %run_scoped3A = arith.constant 0 : i32
      "tpu.region"() ({
        %run_scoped3A_43 = tpu.sem_alloc : memref<!tpu.dma_semaphore, #tpu.memory_space<semaphore_mem>>
        %dma_start3A_44 = arith.constant 0 : i32
        %dma_start3A_45 = tpu.memref_slice %arg3[%run_scoped3A, %add3A, %mul3A_20, %dma_start3A_44] : memref<2x32x100x100xi32, #tpu.memory_space<hbm>> -> memref<1x1x20x100xi32, #tpu.memory_space<hbm>>
        %dma_start3A_46 = tpu.memref_squeeze %dma_start3A_45 : memref<1x1x20x100xi32, #tpu.memory_space<hbm>> -> memref<20x100xi32, #tpu.memory_space<hbm>>
        %dma_start3A_47 = arith.constant 0 : i32
        %dma_start3A_48 = tpu.memref_slice %arg3[%run_scoped3A, %add3A, %mul3A_20, %dma_start3A_47] : memref<2x32x100x100xi32, #tpu.memory_space<hbm>> -> memref<1x1x20x100xi32, #tpu.memory_space<hbm>>
        %dma_start3A_49 = tpu.memref_squeeze %dma_start3A_48 : memref<1x1x20x100xi32, #tpu.memory_space<hbm>> -> memref<20x100xi32, #tpu.memory_space<hbm>>
        tpu.enqueue_dma source(%dma_start3A_49 : memref<20x100xi32, #tpu.memory_space<hbm>>) target(%arg6 : memref<20x100xi32, #tpu.memory_space<vmem>>) target_semaphore(%run_scoped3A_43 : memref<!tpu.dma_semaphore, #tpu.memory_space<semaphore_mem>>)
        %dma_wait3A = arith.constant 0 : i32
        %dma_wait3A_50 = tpu.memref_slice %arg3[%run_scoped3A, %add3A, %mul3A_20, %dma_wait3A] : memref<2x32x100x100xi32, #tpu.memory_space<hbm>> -> memref<1x1x20x100xi32, #tpu.memory_space<hbm>>
        %dma_wait3A_51 = tpu.memref_squeeze %dma_wait3A_50 : memref<1x1x20x100xi32, #tpu.memory_space<hbm>> -> memref<20x100xi32, #tpu.memory_space<hbm>>
        %dma_wait3A_52 = arith.constant 0 : i32
        %dma_wait3A_53 = tpu.memref_slice %arg3[%run_scoped3A, %add3A, %mul3A_20, %dma_wait3A_52] : memref<2x32x100x100xi32, #tpu.memory_space<hbm>> -> memref<1x1x20x100xi32, #tpu.memory_space<hbm>>
        %dma_wait3A_54 = tpu.memref_squeeze %dma_wait3A_53 : memref<1x1x20x100xi32, #tpu.memory_space<hbm>> -> memref<20x100xi32, #tpu.memory_space<hbm>>
        tpu.wait_dma2 semaphore(%run_scoped3A_43 : memref<!tpu.dma_semaphore, #tpu.memory_space<semaphore_mem>>) src(%dma_wait3A_54 : memref<20x100xi32, #tpu.memory_space<hbm>>) dst(%arg6 : memref<20x100xi32, #tpu.memory_space<vmem>>)
        tpu.yield
      }) : () -> ()
      %mul3A_21 = arith.constant 20 : i32
      %mul3A_22 = arith.muli %scan3A_18, %mul3A_21 : i32
      %run_scoped3A_23 = arith.constant 1 : i32
      "tpu.region"() ({
        %run_scoped3A_43 = tpu.sem_alloc : memref<!tpu.dma_semaphore, #tpu.memory_space<semaphore_mem>>
        %dma_start3A_44 = arith.constant 0 : i32
        %dma_start3A_45 = tpu.memref_slice %arg3[%run_scoped3A_23, %add3A, %mul3A_22, %dma_start3A_44] : memref<2x32x100x100xi32, #tpu.memory_space<hbm>> -> memref<1x1x20x100xi32, #tpu.memory_space<hbm>>
        %dma_start3A_46 = tpu.memref_squeeze %dma_start3A_45 : memref<1x1x20x100xi32, #tpu.memory_space<hbm>> -> memref<20x100xi32, #tpu.memory_space<hbm>>
        %dma_start3A_47 = arith.constant 0 : i32
        %dma_start3A_48 = tpu.memref_slice %arg3[%run_scoped3A_23, %add3A, %mul3A_22, %dma_start3A_47] : memref<2x32x100x100xi32, #tpu.memory_space<hbm>> -> memref<1x1x20x100xi32, #tpu.memory_space<hbm>>
        %dma_start3A_49 = tpu.memref_squeeze %dma_start3A_48 : memref<1x1x20x100xi32, #tpu.memory_space<hbm>> -> memref<20x100xi32, #tpu.memory_space<hbm>>
        tpu.enqueue_dma source(%dma_start3A_49 : memref<20x100xi32, #tpu.memory_space<hbm>>) target(%arg7 : memref<20x100xi32, #tpu.memory_space<vmem>>) target_semaphore(%run_scoped3A_43 : memref<!tpu.dma_semaphore, #tpu.memory_space<semaphore_mem>>)
        %dma_wait3A = arith.constant 0 : i32
        %dma_wait3A_50 = tpu.memref_slice %arg3[%run_scoped3A_23, %add3A, %mul3A_22, %dma_wait3A] : memref<2x32x100x100xi32, #tpu.memory_space<hbm>> -> memref<1x1x20x100xi32, #tpu.memory_space<hbm>>
        %dma_wait3A_51 = tpu.memref_squeeze %dma_wait3A_50 : memref<1x1x20x100xi32, #tpu.memory_space<hbm>> -> memref<20x100xi32, #tpu.memory_space<hbm>>
        %dma_wait3A_52 = arith.constant 0 : i32
        %dma_wait3A_53 = tpu.memref_slice %arg3[%run_scoped3A_23, %add3A, %mul3A_22, %dma_wait3A_52] : memref<2x32x100x100xi32, #tpu.memory_space<hbm>> -> memref<1x1x20x100xi32, #tpu.memory_space<hbm>>
        %dma_wait3A_54 = tpu.memref_squeeze %dma_wait3A_53 : memref<1x1x20x100xi32, #tpu.memory_space<hbm>> -> memref<20x100xi32, #tpu.memory_space<hbm>>
        tpu.wait_dma2 semaphore(%run_scoped3A_43 : memref<!tpu.dma_semaphore, #tpu.memory_space<semaphore_mem>>) src(%dma_wait3A_54 : memref<20x100xi32, #tpu.memory_space<hbm>>) dst(%arg7 : memref<20x100xi32, #tpu.memory_space<vmem>>)
        tpu.yield
      }) : () -> ()
      %dma_start3A = arith.constant 0 : i32
      %dma_start3A_24 = arith.constant 0 : i32
      %dma_start3A_25 = tpu.memref_slice %arg6[%dma_start3A, %dma_start3A_24] : memref<20x100xi32, #tpu.memory_space<vmem>> -> memref<1x100xi32, #tpu.memory_space<vmem>>
      %dma_start3A_26 = tpu.memref_squeeze %dma_start3A_25 : memref<1x100xi32, #tpu.memory_space<vmem>> -> memref<100xi32, #tpu.memory_space<vmem>>
      %dma_start3A_27 = arith.constant 0 : i32
      %dma_start3A_28 = arith.constant 0 : i32
      %dma_start3A_29 = tpu.memref_slice %arg2[%dma_start3A_27, %dma_start3A_28] : memref<10000x144xf32, #tpu.memory_space<hbm>> -> memref<10000x144xf32, #tpu.memory_space<hbm>>
      tpu.enqueue_indirect_dma source(%dma_start3A_29 : memref<10000x144xf32, #tpu.memory_space<hbm>>) target(%arg8 : memref<100x144xf32, #tpu.memory_space<vmem>>) offsets(%dma_start3A_26 : memref<100xi32, #tpu.memory_space<vmem>>) semaphore(%arg11 : memref<!tpu.dma_semaphore, #tpu.memory_space<semaphore_mem>>)
      %dma_start3A_30 = arith.constant 1 : i32
      %dma_start3A_31 = arith.constant 0 : i32
      %dma_start3A_32 = tpu.memref_slice %arg6[%dma_start3A_30, %dma_start3A_31] : memref<20x100xi32, #tpu.memory_space<vmem>> -> memref<1x100xi32, #tpu.memory_space<vmem>>
      %dma_start3A_33 = tpu.memref_squeeze %dma_start3A_32 : memref<1x100xi32, #tpu.memory_space<vmem>> -> memref<100xi32, #tpu.memory_space<vmem>>
      %dma_start3A_34 = arith.constant 0 : i32
      %dma_start3A_35 = arith.constant 0 : i32
      %dma_start3A_36 = tpu.memref_slice %arg2[%dma_start3A_34, %dma_start3A_35] : memref<10000x144xf32, #tpu.memory_space<hbm>> -> memref<10000x144xf32, #tpu.memory_space<hbm>>
      tpu.enqueue_indirect_dma source(%dma_start3A_36 : memref<10000x144xf32, #tpu.memory_space<hbm>>) target(%arg9 : memref<100x144xf32, #tpu.memory_space<vmem>>) offsets(%dma_start3A_33 : memref<100xi32, #tpu.memory_space<vmem>>) semaphore(%arg12 : memref<!tpu.dma_semaphore, #tpu.memory_space<semaphore_mem>>)
      %scan3A_37 = arith.constant 0 : i32
      %scan3A_38 = arith.constant 0 : i32
      %scan3A_39 = arith.constant 10 : i32
      %scan3A_40 = arith.addi %scan3A_38, %scan3A_39 : i32
      %scan3A_41 = arith.constant 1 : i32
      scf.for %scan3A_43 = %scan3A_38 to %scan3A_40 step %scan3A_41  : i32 {
        %mul3A_44 = arith.constant 2 : i32
        %mul3A_45 = arith.muli %mul3A_44, %scan3A_43 : i32
        %dma_wait3A = arith.constant 0 : i32
        %dma_wait3A_46 = arith.constant 0 : i32
        %dma_wait3A_47 = tpu.memref_slice %arg6[%dma_wait3A, %dma_wait3A_46] : memref<20x100xi32, #tpu.memory_space<vmem>> -> memref<1x100xi32, #tpu.memory_space<vmem>>
        %dma_wait3A_48 = tpu.memref_squeeze %dma_wait3A_47 : memref<1x100xi32, #tpu.memory_space<vmem>> -> memref<100xi32, #tpu.memory_space<vmem>>
        %dma_wait3A_49 = arith.constant 0 : i32
        %dma_wait3A_50 = arith.constant 0 : i32
        %dma_wait3A_51 = tpu.memref_slice %arg2[%dma_wait3A_49, %dma_wait3A_50] : memref<10000x144xf32, #tpu.memory_space<hbm>> -> memref<10000x144xf32, #tpu.memory_space<hbm>>
        tpu.wait_indirect_dma semaphore(%arg11 : memref<!tpu.dma_semaphore, #tpu.memory_space<semaphore_mem>>) src(%dma_wait3A_51 : memref<10000x144xf32, #tpu.memory_space<hbm>>) dst(%arg8 : memref<100x144xf32, #tpu.memory_space<vmem>>)
        %add3A_52 = arith.constant 0 : i32
        %add3A_53 = arith.addi %mul3A_45, %add3A_52 : i32
        "tpu.region"() ({
          %run_scoped3A_78 = tpu.sem_alloc : memref<!tpu.dma_semaphore, #tpu.memory_space<semaphore_mem>>
          %dma_start3A_79 = arith.constant 0 : i32
          %dma_start3A_80 = tpu.memref_slice %arg7[%add3A_53, %dma_start3A_79] : memref<20x100xi32, #tpu.memory_space<vmem>> -> memref<1x100xi32, #tpu.memory_space<vmem>>
          %dma_start3A_81 = tpu.memref_squeeze %dma_start3A_80 : memref<1x100xi32, #tpu.memory_space<vmem>> -> memref<100xi32, #tpu.memory_space<vmem>>
          %dma_start3A_82 = arith.constant 0 : i32
          %dma_start3A_83 = arith.constant 0 : i32
          %dma_start3A_84 = tpu.memref_slice %arg10[%dma_start3A_82, %dma_start3A_83] : memref<10240x144xf32, #tpu.memory_space<vmem_shared>> -> memref<10240x144xf32, #tpu.memory_space<vmem_shared>>
          tpu.enqueue_indirect_dma source(%arg8 : memref<100x144xf32, #tpu.memory_space<vmem>>) target(%dma_start3A_84 : memref<10240x144xf32, #tpu.memory_space<vmem_shared>>) offsets(%dma_start3A_81 : memref<100xi32, #tpu.memory_space<vmem>>) semaphore(%run_scoped3A_78 : memref<!tpu.dma_semaphore, #tpu.memory_space<semaphore_mem>>) {add = true}
          %dma_wait3A_85 = arith.constant 0 : i32
          %dma_wait3A_86 = tpu.memref_slice %arg7[%add3A_53, %dma_wait3A_85] : memref<20x100xi32, #tpu.memory_space<vmem>> -> memref<1x100xi32, #tpu.memory_space<vmem>>
          %dma_wait3A_87 = tpu.memref_squeeze %dma_wait3A_86 : memref<1x100xi32, #tpu.memory_space<vmem>> -> memref<100xi32, #tpu.memory_space<vmem>>
          %dma_wait3A_88 = arith.constant 0 : i32
          %dma_wait3A_89 = arith.constant 0 : i32
          %dma_wait3A_90 = tpu.memref_slice %arg10[%dma_wait3A_88, %dma_wait3A_89] : memref<10240x144xf32, #tpu.memory_space<vmem_shared>> -> memref<10240x144xf32, #tpu.memory_space<vmem_shared>>
          tpu.wait_indirect_dma semaphore(%run_scoped3A_78 : memref<!tpu.dma_semaphore, #tpu.memory_space<semaphore_mem>>) src(%arg8 : memref<100x144xf32, #tpu.memory_space<vmem>>) dst(%dma_wait3A_90 : memref<10240x144xf32, #tpu.memory_space<vmem_shared>>)
          tpu.yield
        }) : () -> ()
        %add3A_54 = arith.constant 0 : i32
        %add3A_55 = arith.addi %mul3A_45, %add3A_54 : i32
        %add3A_56 = arith.constant 2 : i32
        %add3A_57 = arith.addi %add3A_55, %add3A_56 : i32
        %lt3A = arith.constant 20 : i32
        %lt3A_58 = arith.cmpi slt, %add3A_57, %lt3A : i32
        %convert_element_type3A = arith.extui %lt3A_58 : i1 to i32
        %cond3A = arith.constant 0 : i32
        %cond3A_59 = arith.cmpi ne, %convert_element_type3A, %cond3A : i32
        scf.if %cond3A_59 {
          %add3A_78 = arith.constant 0 : i32
          %add3A_79 = arith.addi %mul3A_45, %add3A_78 : i32
          %add3A_80 = arith.constant 2 : i32
          %add3A_81 = arith.addi %add3A_79, %add3A_80 : i32
          %dma_start3A_82 = arith.constant 0 : i32
          %dma_start3A_83 = tpu.memref_slice %arg6[%add3A_81, %dma_start3A_82] : memref<20x100xi32, #tpu.memory_space<vmem>> -> memref<1x100xi32, #tpu.memory_space<vmem>>
          %dma_start3A_84 = tpu.memref_squeeze %dma_start3A_83 : memref<1x100xi32, #tpu.memory_space<vmem>> -> memref<100xi32, #tpu.memory_space<vmem>>
          %dma_start3A_85 = arith.constant 0 : i32
          %dma_start3A_86 = arith.constant 0 : i32
          %dma_start3A_87 = tpu.memref_slice %arg2[%dma_start3A_85, %dma_start3A_86] : memref<10000x144xf32, #tpu.memory_space<hbm>> -> memref<10000x144xf32, #tpu.memory_space<hbm>>
          tpu.enqueue_indirect_dma source(%dma_start3A_87 : memref<10000x144xf32, #tpu.memory_space<hbm>>) target(%arg8 : memref<100x144xf32, #tpu.memory_space<vmem>>) offsets(%dma_start3A_84 : memref<100xi32, #tpu.memory_space<vmem>>) semaphore(%arg11 : memref<!tpu.dma_semaphore, #tpu.memory_space<semaphore_mem>>)
        } else {
        }
        %dma_wait3A_60 = arith.constant 0 : i32
        %dma_wait3A_61 = arith.constant 0 : i32
        %dma_wait3A_62 = tpu.memref_slice %arg6[%dma_wait3A_60, %dma_wait3A_61] : memref<20x100xi32, #tpu.memory_space<vmem>> -> memref<1x100xi32, #tpu.memory_space<vmem>>
        %dma_wait3A_63 = tpu.memref_squeeze %dma_wait3A_62 : memref<1x100xi32, #tpu.memory_space<vmem>> -> memref<100xi32, #tpu.memory_space<vmem>>
        %dma_wait3A_64 = arith.constant 0 : i32
        %dma_wait3A_65 = arith.constant 0 : i32
        %dma_wait3A_66 = tpu.memref_slice %arg2[%dma_wait3A_64, %dma_wait3A_65] : memref<10000x144xf32, #tpu.memory_space<hbm>> -> memref<10000x144xf32, #tpu.memory_space<hbm>>
        tpu.wait_indirect_dma semaphore(%arg12 : memref<!tpu.dma_semaphore, #tpu.memory_space<semaphore_mem>>) src(%dma_wait3A_66 : memref<10000x144xf32, #tpu.memory_space<hbm>>) dst(%arg9 : memref<100x144xf32, #tpu.memory_space<vmem>>)
        %add3A_67 = arith.constant 1 : i32
        %add3A_68 = arith.addi %mul3A_45, %add3A_67 : i32
        "tpu.region"() ({
          %run_scoped3A_78 = tpu.sem_alloc : memref<!tpu.dma_semaphore, #tpu.memory_space<semaphore_mem>>
          %dma_start3A_79 = arith.constant 0 : i32
          %dma_start3A_80 = tpu.memref_slice %arg7[%add3A_68, %dma_start3A_79] : memref<20x100xi32, #tpu.memory_space<vmem>> -> memref<1x100xi32, #tpu.memory_space<vmem>>
          %dma_start3A_81 = tpu.memref_squeeze %dma_start3A_80 : memref<1x100xi32, #tpu.memory_space<vmem>> -> memref<100xi32, #tpu.memory_space<vmem>>
          %dma_start3A_82 = arith.constant 0 : i32
          %dma_start3A_83 = arith.constant 0 : i32
          %dma_start3A_84 = tpu.memref_slice %arg10[%dma_start3A_82, %dma_start3A_83] : memref<10240x144xf32, #tpu.memory_space<vmem_shared>> -> memref<10240x144xf32, #tpu.memory_space<vmem_shared>>
          tpu.enqueue_indirect_dma source(%arg9 : memref<100x144xf32, #tpu.memory_space<vmem>>) target(%dma_start3A_84 : memref<10240x144xf32, #tpu.memory_space<vmem_shared>>) offsets(%dma_start3A_81 : memref<100xi32, #tpu.memory_space<vmem>>) semaphore(%run_scoped3A_78 : memref<!tpu.dma_semaphore, #tpu.memory_space<semaphore_mem>>) {add = true}
          %dma_wait3A_85 = arith.constant 0 : i32
          %dma_wait3A_86 = tpu.memref_slice %arg7[%add3A_68, %dma_wait3A_85] : memref<20x100xi32, #tpu.memory_space<vmem>> -> memref<1x100xi32, #tpu.memory_space<vmem>>
          %dma_wait3A_87 = tpu.memref_squeeze %dma_wait3A_86 : memref<1x100xi32, #tpu.memory_space<vmem>> -> memref<100xi32, #tpu.memory_space<vmem>>
          %dma_wait3A_88 = arith.constant 0 : i32
          %dma_wait3A_89 = arith.constant 0 : i32
          %dma_wait3A_90 = tpu.memref_slice %arg10[%dma_wait3A_88, %dma_wait3A_89] : memref<10240x144xf32, #tpu.memory_space<vmem_shared>> -> memref<10240x144xf32, #tpu.memory_space<vmem_shared>>
          tpu.wait_indirect_dma semaphore(%run_scoped3A_78 : memref<!tpu.dma_semaphore, #tpu.memory_space<semaphore_mem>>) src(%arg9 : memref<100x144xf32, #tpu.memory_space<vmem>>) dst(%dma_wait3A_90 : memref<10240x144xf32, #tpu.memory_space<vmem_shared>>)
          tpu.yield
        }) : () -> ()
        %add3A_69 = arith.constant 1 : i32
        %add3A_70 = arith.addi %mul3A_45, %add3A_69 : i32
        %add3A_71 = arith.constant 2 : i32
        %add3A_72 = arith.addi %add3A_70, %add3A_71 : i32
        %lt3A_73 = arith.constant 20 : i32
        %lt3A_74 = arith.cmpi slt, %add3A_72, %lt3A_73 : i32
        %convert_element_type3A_75 = arith.extui %lt3A_74 : i1 to i32
        %cond3A_76 = arith.constant 0 : i32
        %cond3A_77 = arith.cmpi ne, %convert_element_type3A_75, %cond3A_76 : i32
        scf.if %cond3A_77 {
          %add3A_78 = arith.constant 1 : i32
          %add3A_79 = arith.addi %mul3A_45, %add3A_78 : i32
          %add3A_80 = arith.constant 2 : i32
          %add3A_81 = arith.addi %add3A_79, %add3A_80 : i32
          %dma_start3A_82 = arith.constant 0 : i32
          %dma_start3A_83 = tpu.memref_slice %arg6[%add3A_81, %dma_start3A_82] : memref<20x100xi32, #tpu.memory_space<vmem>> -> memref<1x100xi32, #tpu.memory_space<vmem>>
          %dma_start3A_84 = tpu.memref_squeeze %dma_start3A_83 : memref<1x100xi32, #tpu.memory_space<vmem>> -> memref<100xi32, #tpu.memory_space<vmem>>
          %dma_start3A_85 = arith.constant 0 : i32
          %dma_start3A_86 = arith.constant 0 : i32
          %dma_start3A_87 = tpu.memref_slice %arg2[%dma_start3A_85, %dma_start3A_86] : memref<10000x144xf32, #tpu.memory_space<hbm>> -> memref<10000x144xf32, #tpu.memory_space<hbm>>
          tpu.enqueue_indirect_dma source(%dma_start3A_87 : memref<10000x144xf32, #tpu.memory_space<hbm>>) target(%arg9 : memref<100x144xf32, #tpu.memory_space<vmem>>) offsets(%dma_start3A_84 : memref<100xi32, #tpu.memory_space<vmem>>) semaphore(%arg12 : memref<!tpu.dma_semaphore, #tpu.memory_space<semaphore_mem>>)
        } else {
        }
      }
      %scan3A_42 = arith.constant 10 : i32
    }
    %scan3A_9 = arith.constant 5 : i32
    %barrier3A_10 = arith.constant 0 : index
    tpu.barrier barrier_id(%barrier3A_10)
    %mul3A_11 = arith.constant 640 : i32
    %mul3A_12 = arith.muli %arg1, %mul3A_11 : i32
    %mul3A_13 = arith.constant 10240 : i32
    %mul3A_14 = arith.muli %arg0, %mul3A_13 : i32
    %mul3A_15 = arith.constant 640 : i32
    %mul3A_16 = arith.muli %arg1, %mul3A_15 : i32
    %add3A_17 = arith.addi %mul3A_14, %mul3A_16 : i32
    "tpu.region"() ({
      %run_scoped3A = tpu.sem_alloc : memref<!tpu.dma_semaphore, #tpu.memory_space<semaphore_mem>>
      %dma_start3A = arith.constant 0 : i32
      %dma_start3A_18 = tpu.memref_slice %arg5[%add3A_17, %dma_start3A] : memref<20480x144xf32, #tpu.memory_space<hbm>> -> memref<640x144xf32, #tpu.memory_space<hbm>>
      %dma_start3A_19 = arith.constant 0 : i32
      %dma_start3A_20 = tpu.memref_slice %arg10[%mul3A_12, %dma_start3A_19] : memref<10240x144xf32, #tpu.memory_space<vmem_shared>> -> memref<640x144xf32, #tpu.memory_space<vmem_shared>>
      tpu.enqueue_dma source(%dma_start3A_20 : memref<640x144xf32, #tpu.memory_space<vmem_shared>>) target(%dma_start3A_18 : memref<640x144xf32, #tpu.memory_space<hbm>>) target_semaphore(%run_scoped3A : memref<!tpu.dma_semaphore, #tpu.memory_space<semaphore_mem>>)
      %dma_wait3A = arith.constant 0 : i32
      %dma_wait3A_21 = tpu.memref_slice %arg5[%add3A_17, %dma_wait3A] : memref<20480x144xf32, #tpu.memory_space<hbm>> -> memref<640x144xf32, #tpu.memory_space<hbm>>
      %dma_wait3A_22 = arith.constant 0 : i32
      %dma_wait3A_23 = tpu.memref_slice %arg10[%mul3A_12, %dma_wait3A_22] : memref<10240x144xf32, #tpu.memory_space<vmem_shared>> -> memref<640x144xf32, #tpu.memory_space<vmem_shared>>
      tpu.wait_dma2 semaphore(%run_scoped3A : memref<!tpu.dma_semaphore, #tpu.memory_space<semaphore_mem>>) src(%dma_wait3A_23 : memref<640x144xf32, #tpu.memory_space<vmem_shared>>) dst(%dma_wait3A_21 : memref<640x144xf32, #tpu.memory_space<hbm>>)
      tpu.yield
    }) : () -> ()
    return
  }
}

#map = affine_map<(d0, d1) -> (0, 0)>
#map1 = affine_map<(d0, d1) -> (0, 0, 0, 0)>
module attributes {stable_mosaic.version = 14 : i64} {
  func.func @k(%arg0: i32, %arg1: i32, %arg2: memref<10000x16xf32, #tpu.memory_space<hbm>>, %arg3: memref<2x32x100x100xi32, #tpu.memory_space<hbm>>, %arg4: memref<10240x16xf32, #tpu.memory_space<hbm>>, %arg5: memref<20480x16xf32, #tpu.memory_space<hbm>>, %arg6: memref<20x100xi32, #tpu.memory_space<vmem>>, %arg7: memref<20x100xi32, #tpu.memory_space<vmem>>, %arg8: memref<100x16xf32, #tpu.memory_space<vmem>>, %arg9: memref<100x16xf32, #tpu.memory_space<vmem>>, %arg10: memref<100x16xf32, #tpu.memory_space<vmem>>, %arg11: memref<100x16xf32, #tpu.memory_space<vmem>>, %arg12: memref<10240x16xf32, #tpu.memory_space<vmem_shared>>, %arg13: memref<!tpu.dma_semaphore, #tpu.memory_space<semaphore_mem>>, %arg14: memref<!tpu.dma_semaphore, #tpu.memory_space<semaphore_mem>>, %arg15: memref<!tpu.dma_semaphore, #tpu.memory_space<semaphore_mem>>, %arg16: memref<!tpu.dma_semaphore, #tpu.memory_space<semaphore_mem>>, %arg17: memref<!tpu.dma_semaphore, #tpu.memory_space<semaphore_mem>>, %arg18: memref<!tpu.dma_semaphore, #tpu.memory_space<semaphore_mem>>, %arg19: memref<!tpu.dma_semaphore, #tpu.memory_space<semaphore_mem>>, %arg20: memref<!tpu.dma_semaphore, #tpu.memory_space<semaphore_mem>>) attributes {dimension_semantics = [#tpu.dimension_semantics<core_parallel>, #tpu.dimension_semantics<subcore_parallel>], iteration_bounds = array<i64: 2, 16>, scalar_prefetch = 0 : i64, scratch_operands = 15 : i64, tpu.core_type = #tpu.core_type<sc_vector_subcore>, window_params = [{transform_indices = #map}, {transform_indices = #map1}, {transform_indices = #map}, {transform_indices = #map}]} {
    %mul3A = arith.constant 2 : i32
    %mul3A_0 = arith.muli %arg1, %mul3A : i32
    %add3A = arith.addi %mul3A_0, %arg0 : i32
    %mul3A_1 = arith.constant 640 : i32
    %mul3A_2 = arith.muli %arg1, %mul3A_1 : i32
    %mul3A_3 = arith.constant 640 : i32
    %mul3A_4 = arith.muli %arg1, %mul3A_3 : i32
    "tpu.region"() ({
      %run_scoped3A = tpu.sem_alloc : memref<!tpu.dma_semaphore, #tpu.memory_space<semaphore_mem>>
      %dma_start3A = arith.constant 0 : i32
      %dma_start3A_18 = tpu.memref_slice %arg12[%mul3A_4, %dma_start3A] : memref<10240x16xf32, #tpu.memory_space<vmem_shared>> -> memref<640x16xf32, #tpu.memory_space<vmem_shared>>
      %dma_start3A_19 = arith.constant 0 : i32
      %dma_start3A_20 = tpu.memref_slice %arg4[%mul3A_2, %dma_start3A_19] : memref<10240x16xf32, #tpu.memory_space<hbm>> -> memref<640x16xf32, #tpu.memory_space<hbm>>
      tpu.enqueue_dma source(%dma_start3A_20 : memref<640x16xf32, #tpu.memory_space<hbm>>) target(%dma_start3A_18 : memref<640x16xf32, #tpu.memory_space<vmem_shared>>) target_semaphore(%run_scoped3A : memref<!tpu.dma_semaphore, #tpu.memory_space<semaphore_mem>>)
      %dma_wait3A = arith.constant 0 : i32
      %dma_wait3A_21 = tpu.memref_slice %arg12[%mul3A_4, %dma_wait3A] : memref<10240x16xf32, #tpu.memory_space<vmem_shared>> -> memref<640x16xf32, #tpu.memory_space<vmem_shared>>
      %dma_wait3A_22 = arith.constant 0 : i32
      %dma_wait3A_23 = tpu.memref_slice %arg4[%mul3A_2, %dma_wait3A_22] : memref<10240x16xf32, #tpu.memory_space<hbm>> -> memref<640x16xf32, #tpu.memory_space<hbm>>
      tpu.wait_dma2 semaphore(%run_scoped3A : memref<!tpu.dma_semaphore, #tpu.memory_space<semaphore_mem>>) src(%dma_wait3A_23 : memref<640x16xf32, #tpu.memory_space<hbm>>) dst(%dma_wait3A_21 : memref<640x16xf32, #tpu.memory_space<vmem_shared>>)
      tpu.yield
    }) : () -> ()
    %barrier3A = arith.constant 0 : index
    tpu.barrier barrier_id(%barrier3A)
    %scan3A = arith.constant 0 : i32
    %scan3A_5 = arith.constant 0 : i32
    %scan3A_6 = arith.constant 5 : i32
    %scan3A_7 = arith.addi %scan3A_5, %scan3A_6 : i32
    %scan3A_8 = arith.constant 1 : i32
    scf.for %scan3A_18 = %scan3A_5 to %scan3A_7 step %scan3A_8  : i32 {
      %mul3A_19 = arith.constant 20 : i32
      %mul3A_20 = arith.muli %scan3A_18, %mul3A_19 : i32
      %run_scoped3A = arith.constant 0 : i32
      "tpu.region"() ({
        %run_scoped3A_84 = tpu.sem_alloc : memref<!tpu.dma_semaphore, #tpu.memory_space<semaphore_mem>>
        %dma_start3A_85 = arith.constant 0 : i32
        %dma_start3A_86 = tpu.memref_slice %arg3[%run_scoped3A, %add3A, %mul3A_20, %dma_start3A_85] : memref<2x32x100x100xi32, #tpu.memory_space<hbm>> -> memref<1x1x20x100xi32, #tpu.memory_space<hbm>>
        %dma_start3A_87 = tpu.memref_squeeze %dma_start3A_86 : memref<1x1x20x100xi32, #tpu.memory_space<hbm>> -> memref<20x100xi32, #tpu.memory_space<hbm>>
        %dma_start3A_88 = arith.constant 0 : i32
        %dma_start3A_89 = tpu.memref_slice %arg3[%run_scoped3A, %add3A, %mul3A_20, %dma_start3A_88] : memref<2x32x100x100xi32, #tpu.memory_space<hbm>> -> memref<1x1x20x100xi32, #tpu.memory_space<hbm>>
        %dma_start3A_90 = tpu.memref_squeeze %dma_start3A_89 : memref<1x1x20x100xi32, #tpu.memory_space<hbm>> -> memref<20x100xi32, #tpu.memory_space<hbm>>
        tpu.enqueue_dma source(%dma_start3A_90 : memref<20x100xi32, #tpu.memory_space<hbm>>) target(%arg6 : memref<20x100xi32, #tpu.memory_space<vmem>>) target_semaphore(%run_scoped3A_84 : memref<!tpu.dma_semaphore, #tpu.memory_space<semaphore_mem>>)
        %dma_wait3A_91 = arith.constant 0 : i32
        %dma_wait3A_92 = tpu.memref_slice %arg3[%run_scoped3A, %add3A, %mul3A_20, %dma_wait3A_91] : memref<2x32x100x100xi32, #tpu.memory_space<hbm>> -> memref<1x1x20x100xi32, #tpu.memory_space<hbm>>
        %dma_wait3A_93 = tpu.memref_squeeze %dma_wait3A_92 : memref<1x1x20x100xi32, #tpu.memory_space<hbm>> -> memref<20x100xi32, #tpu.memory_space<hbm>>
        %dma_wait3A_94 = arith.constant 0 : i32
        %dma_wait3A_95 = tpu.memref_slice %arg3[%run_scoped3A, %add3A, %mul3A_20, %dma_wait3A_94] : memref<2x32x100x100xi32, #tpu.memory_space<hbm>> -> memref<1x1x20x100xi32, #tpu.memory_space<hbm>>
        %dma_wait3A_96 = tpu.memref_squeeze %dma_wait3A_95 : memref<1x1x20x100xi32, #tpu.memory_space<hbm>> -> memref<20x100xi32, #tpu.memory_space<hbm>>
        tpu.wait_dma2 semaphore(%run_scoped3A_84 : memref<!tpu.dma_semaphore, #tpu.memory_space<semaphore_mem>>) src(%dma_wait3A_96 : memref<20x100xi32, #tpu.memory_space<hbm>>) dst(%arg6 : memref<20x100xi32, #tpu.memory_space<vmem>>)
        tpu.yield
      }) : () -> ()
      %mul3A_21 = arith.constant 20 : i32
      %mul3A_22 = arith.muli %scan3A_18, %mul3A_21 : i32
      %run_scoped3A_23 = arith.constant 1 : i32
      "tpu.region"() ({
        %run_scoped3A_84 = tpu.sem_alloc : memref<!tpu.dma_semaphore, #tpu.memory_space<semaphore_mem>>
        %dma_start3A_85 = arith.constant 0 : i32
        %dma_start3A_86 = tpu.memref_slice %arg3[%run_scoped3A_23, %add3A, %mul3A_22, %dma_start3A_85] : memref<2x32x100x100xi32, #tpu.memory_space<hbm>> -> memref<1x1x20x100xi32, #tpu.memory_space<hbm>>
        %dma_start3A_87 = tpu.memref_squeeze %dma_start3A_86 : memref<1x1x20x100xi32, #tpu.memory_space<hbm>> -> memref<20x100xi32, #tpu.memory_space<hbm>>
        %dma_start3A_88 = arith.constant 0 : i32
        %dma_start3A_89 = tpu.memref_slice %arg3[%run_scoped3A_23, %add3A, %mul3A_22, %dma_start3A_88] : memref<2x32x100x100xi32, #tpu.memory_space<hbm>> -> memref<1x1x20x100xi32, #tpu.memory_space<hbm>>
        %dma_start3A_90 = tpu.memref_squeeze %dma_start3A_89 : memref<1x1x20x100xi32, #tpu.memory_space<hbm>> -> memref<20x100xi32, #tpu.memory_space<hbm>>
        tpu.enqueue_dma source(%dma_start3A_90 : memref<20x100xi32, #tpu.memory_space<hbm>>) target(%arg7 : memref<20x100xi32, #tpu.memory_space<vmem>>) target_semaphore(%run_scoped3A_84 : memref<!tpu.dma_semaphore, #tpu.memory_space<semaphore_mem>>)
        %dma_wait3A_91 = arith.constant 0 : i32
        %dma_wait3A_92 = tpu.memref_slice %arg3[%run_scoped3A_23, %add3A, %mul3A_22, %dma_wait3A_91] : memref<2x32x100x100xi32, #tpu.memory_space<hbm>> -> memref<1x1x20x100xi32, #tpu.memory_space<hbm>>
        %dma_wait3A_93 = tpu.memref_squeeze %dma_wait3A_92 : memref<1x1x20x100xi32, #tpu.memory_space<hbm>> -> memref<20x100xi32, #tpu.memory_space<hbm>>
        %dma_wait3A_94 = arith.constant 0 : i32
        %dma_wait3A_95 = tpu.memref_slice %arg3[%run_scoped3A_23, %add3A, %mul3A_22, %dma_wait3A_94] : memref<2x32x100x100xi32, #tpu.memory_space<hbm>> -> memref<1x1x20x100xi32, #tpu.memory_space<hbm>>
        %dma_wait3A_96 = tpu.memref_squeeze %dma_wait3A_95 : memref<1x1x20x100xi32, #tpu.memory_space<hbm>> -> memref<20x100xi32, #tpu.memory_space<hbm>>
        tpu.wait_dma2 semaphore(%run_scoped3A_84 : memref<!tpu.dma_semaphore, #tpu.memory_space<semaphore_mem>>) src(%dma_wait3A_96 : memref<20x100xi32, #tpu.memory_space<hbm>>) dst(%arg7 : memref<20x100xi32, #tpu.memory_space<vmem>>)
        tpu.yield
      }) : () -> ()
      %dma_start3A = arith.constant 0 : i32
      %dma_start3A_24 = arith.constant 0 : i32
      %dma_start3A_25 = tpu.memref_slice %arg6[%dma_start3A, %dma_start3A_24] : memref<20x100xi32, #tpu.memory_space<vmem>> -> memref<1x100xi32, #tpu.memory_space<vmem>>
      %dma_start3A_26 = tpu.memref_squeeze %dma_start3A_25 : memref<1x100xi32, #tpu.memory_space<vmem>> -> memref<100xi32, #tpu.memory_space<vmem>>
      %dma_start3A_27 = arith.constant 0 : i32
      %dma_start3A_28 = arith.constant 0 : i32
      %dma_start3A_29 = tpu.memref_slice %arg2[%dma_start3A_27, %dma_start3A_28] : memref<10000x16xf32, #tpu.memory_space<hbm>> -> memref<10000x16xf32, #tpu.memory_space<hbm>>
      tpu.enqueue_indirect_dma source(%dma_start3A_29 : memref<10000x16xf32, #tpu.memory_space<hbm>>) target(%arg8 : memref<100x16xf32, #tpu.memory_space<vmem>>) offsets(%dma_start3A_26 : memref<100xi32, #tpu.memory_space<vmem>>) semaphore(%arg13 : memref<!tpu.dma_semaphore, #tpu.memory_space<semaphore_mem>>)
      %dma_start3A_30 = arith.constant 1 : i32
      %dma_start3A_31 = arith.constant 0 : i32
      %dma_start3A_32 = tpu.memref_slice %arg6[%dma_start3A_30, %dma_start3A_31] : memref<20x100xi32, #tpu.memory_space<vmem>> -> memref<1x100xi32, #tpu.memory_space<vmem>>
      %dma_start3A_33 = tpu.memref_squeeze %dma_start3A_32 : memref<1x100xi32, #tpu.memory_space<vmem>> -> memref<100xi32, #tpu.memory_space<vmem>>
      %dma_start3A_34 = arith.constant 0 : i32
      %dma_start3A_35 = arith.constant 0 : i32
      %dma_start3A_36 = tpu.memref_slice %arg2[%dma_start3A_34, %dma_start3A_35] : memref<10000x16xf32, #tpu.memory_space<hbm>> -> memref<10000x16xf32, #tpu.memory_space<hbm>>
      tpu.enqueue_indirect_dma source(%dma_start3A_36 : memref<10000x16xf32, #tpu.memory_space<hbm>>) target(%arg9 : memref<100x16xf32, #tpu.memory_space<vmem>>) offsets(%dma_start3A_33 : memref<100xi32, #tpu.memory_space<vmem>>) semaphore(%arg14 : memref<!tpu.dma_semaphore, #tpu.memory_space<semaphore_mem>>)
      %dma_start3A_37 = arith.constant 2 : i32
      %dma_start3A_38 = arith.constant 0 : i32
      %dma_start3A_39 = tpu.memref_slice %arg6[%dma_start3A_37, %dma_start3A_38] : memref<20x100xi32, #tpu.memory_space<vmem>> -> memref<1x100xi32, #tpu.memory_space<vmem>>
      %dma_start3A_40 = tpu.memref_squeeze %dma_start3A_39 : memref<1x100xi32, #tpu.memory_space<vmem>> -> memref<100xi32, #tpu.memory_space<vmem>>
      %dma_start3A_41 = arith.constant 0 : i32
      %dma_start3A_42 = arith.constant 0 : i32
      %dma_start3A_43 = tpu.memref_slice %arg2[%dma_start3A_41, %dma_start3A_42] : memref<10000x16xf32, #tpu.memory_space<hbm>> -> memref<10000x16xf32, #tpu.memory_space<hbm>>
      tpu.enqueue_indirect_dma source(%dma_start3A_43 : memref<10000x16xf32, #tpu.memory_space<hbm>>) target(%arg10 : memref<100x16xf32, #tpu.memory_space<vmem>>) offsets(%dma_start3A_40 : memref<100xi32, #tpu.memory_space<vmem>>) semaphore(%arg15 : memref<!tpu.dma_semaphore, #tpu.memory_space<semaphore_mem>>)
      %dma_start3A_44 = arith.constant 3 : i32
      %dma_start3A_45 = arith.constant 0 : i32
      %dma_start3A_46 = tpu.memref_slice %arg6[%dma_start3A_44, %dma_start3A_45] : memref<20x100xi32, #tpu.memory_space<vmem>> -> memref<1x100xi32, #tpu.memory_space<vmem>>
      %dma_start3A_47 = tpu.memref_squeeze %dma_start3A_46 : memref<1x100xi32, #tpu.memory_space<vmem>> -> memref<100xi32, #tpu.memory_space<vmem>>
      %dma_start3A_48 = arith.constant 0 : i32
      %dma_start3A_49 = arith.constant 0 : i32
      %dma_start3A_50 = tpu.memref_slice %arg2[%dma_start3A_48, %dma_start3A_49] : memref<10000x16xf32, #tpu.memory_space<hbm>> -> memref<10000x16xf32, #tpu.memory_space<hbm>>
      tpu.enqueue_indirect_dma source(%dma_start3A_50 : memref<10000x16xf32, #tpu.memory_space<hbm>>) target(%arg11 : memref<100x16xf32, #tpu.memory_space<vmem>>) offsets(%dma_start3A_47 : memref<100xi32, #tpu.memory_space<vmem>>) semaphore(%arg16 : memref<!tpu.dma_semaphore, #tpu.memory_space<semaphore_mem>>)
      %scan3A_51 = arith.constant 0 : i32
      %scan3A_52 = arith.constant 0 : i32
      %scan3A_53 = arith.constant 5 : i32
      %scan3A_54 = arith.addi %scan3A_52, %scan3A_53 : i32
      %scan3A_55 = arith.constant 1 : i32
      scf.for %scan3A_84 = %scan3A_52 to %scan3A_54 step %scan3A_55  : i32 {
        %mul3A_85 = arith.constant 4 : i32
        %mul3A_86 = arith.muli %mul3A_85, %scan3A_84 : i32
        %dma_wait3A_87 = arith.constant 0 : i32
        %dma_wait3A_88 = arith.constant 0 : i32
        %dma_wait3A_89 = tpu.memref_slice %arg6[%dma_wait3A_87, %dma_wait3A_88] : memref<20x100xi32, #tpu.memory_space<vmem>> -> memref<1x100xi32, #tpu.memory_space<vmem>>
        %dma_wait3A_90 = tpu.memref_squeeze %dma_wait3A_89 : memref<1x100xi32, #tpu.memory_space<vmem>> -> memref<100xi32, #tpu.memory_space<vmem>>
        %dma_wait3A_91 = arith.constant 0 : i32
        %dma_wait3A_92 = arith.constant 0 : i32
        %dma_wait3A_93 = tpu.memref_slice %arg2[%dma_wait3A_91, %dma_wait3A_92] : memref<10000x16xf32, #tpu.memory_space<hbm>> -> memref<10000x16xf32, #tpu.memory_space<hbm>>
        tpu.wait_indirect_dma semaphore(%arg13 : memref<!tpu.dma_semaphore, #tpu.memory_space<semaphore_mem>>) src(%dma_wait3A_93 : memref<10000x16xf32, #tpu.memory_space<hbm>>) dst(%arg8 : memref<100x16xf32, #tpu.memory_space<vmem>>)
        %add3A_94 = arith.constant 0 : i32
        %add3A_95 = arith.addi %mul3A_86, %add3A_94 : i32
        %dma_start3A_96 = arith.constant 0 : i32
        %dma_start3A_97 = tpu.memref_slice %arg7[%add3A_95, %dma_start3A_96] : memref<20x100xi32, #tpu.memory_space<vmem>> -> memref<1x100xi32, #tpu.memory_space<vmem>>
        %dma_start3A_98 = tpu.memref_squeeze %dma_start3A_97 : memref<1x100xi32, #tpu.memory_space<vmem>> -> memref<100xi32, #tpu.memory_space<vmem>>
        %dma_start3A_99 = arith.constant 0 : i32
        %dma_start3A_100 = arith.constant 0 : i32
        %dma_start3A_101 = tpu.memref_slice %arg12[%dma_start3A_99, %dma_start3A_100] : memref<10240x16xf32, #tpu.memory_space<vmem_shared>> -> memref<10240x16xf32, #tpu.memory_space<vmem_shared>>
        tpu.enqueue_indirect_dma source(%arg8 : memref<100x16xf32, #tpu.memory_space<vmem>>) target(%dma_start3A_101 : memref<10240x16xf32, #tpu.memory_space<vmem_shared>>) offsets(%dma_start3A_98 : memref<100xi32, #tpu.memory_space<vmem>>) semaphore(%arg17 : memref<!tpu.dma_semaphore, #tpu.memory_space<semaphore_mem>>) {add = true}
        %add3A_102 = arith.constant 0 : i32
        %add3A_103 = arith.addi %mul3A_86, %add3A_102 : i32
        %add3A_104 = arith.constant 4 : i32
        %add3A_105 = arith.addi %add3A_103, %add3A_104 : i32
        %lt3A = arith.constant 20 : i32
        %lt3A_106 = arith.cmpi slt, %add3A_105, %lt3A : i32
        %convert_element_type3A = arith.extui %lt3A_106 : i1 to i32
        %cond3A = arith.constant 0 : i32
        %cond3A_107 = arith.cmpi ne, %convert_element_type3A, %cond3A : i32
        scf.if %cond3A_107 {
          %dma_wait3A_180 = arith.constant 0 : i32
          %dma_wait3A_181 = arith.constant 0 : i32
          %dma_wait3A_182 = tpu.memref_slice %arg7[%dma_wait3A_180, %dma_wait3A_181] : memref<20x100xi32, #tpu.memory_space<vmem>> -> memref<1x100xi32, #tpu.memory_space<vmem>>
          %dma_wait3A_183 = tpu.memref_squeeze %dma_wait3A_182 : memref<1x100xi32, #tpu.memory_space<vmem>> -> memref<100xi32, #tpu.memory_space<vmem>>
          %dma_wait3A_184 = arith.constant 0 : i32
          %dma_wait3A_185 = arith.constant 0 : i32
          %dma_wait3A_186 = tpu.memref_slice %arg12[%dma_wait3A_184, %dma_wait3A_185] : memref<10240x16xf32, #tpu.memory_space<vmem_shared>> -> memref<10240x16xf32, #tpu.memory_space<vmem_shared>>
          tpu.wait_indirect_dma semaphore(%arg17 : memref<!tpu.dma_semaphore, #tpu.memory_space<semaphore_mem>>) src(%arg8 : memref<100x16xf32, #tpu.memory_space<vmem>>) dst(%dma_wait3A_186 : memref<10240x16xf32, #tpu.memory_space<vmem_shared>>)
          %add3A_187 = arith.constant 0 : i32
          %add3A_188 = arith.addi %mul3A_86, %add3A_187 : i32
          %add3A_189 = arith.constant 4 : i32
          %add3A_190 = arith.addi %add3A_188, %add3A_189 : i32
          %dma_start3A_191 = arith.constant 0 : i32
          %dma_start3A_192 = tpu.memref_slice %arg6[%add3A_190, %dma_start3A_191] : memref<20x100xi32, #tpu.memory_space<vmem>> -> memref<1x100xi32, #tpu.memory_space<vmem>>
          %dma_start3A_193 = tpu.memref_squeeze %dma_start3A_192 : memref<1x100xi32, #tpu.memory_space<vmem>> -> memref<100xi32, #tpu.memory_space<vmem>>
          %dma_start3A_194 = arith.constant 0 : i32
          %dma_start3A_195 = arith.constant 0 : i32
          %dma_start3A_196 = tpu.memref_slice %arg2[%dma_start3A_194, %dma_start3A_195] : memref<10000x16xf32, #tpu.memory_space<hbm>> -> memref<10000x16xf32, #tpu.memory_space<hbm>>
          tpu.enqueue_indirect_dma source(%dma_start3A_196 : memref<10000x16xf32, #tpu.memory_space<hbm>>) target(%arg8 : memref<100x16xf32, #tpu.memory_space<vmem>>) offsets(%dma_start3A_193 : memref<100xi32, #tpu.memory_space<vmem>>) semaphore(%arg13 : memref<!tpu.dma_semaphore, #tpu.memory_space<semaphore_mem>>)
        } else {
        }
        %dma_wait3A_108 = arith.constant 0 : i32
        %dma_wait3A_109 = arith.constant 0 : i32
        %dma_wait3A_110 = tpu.memref_slice %arg6[%dma_wait3A_108, %dma_wait3A_109] : memref<20x100xi32, #tpu.memory_space<vmem>> -> memref<1x100xi32, #tpu.memory_space<vmem>>
        %dma_wait3A_111 = tpu.memref_squeeze %dma_wait3A_110 : memref<1x100xi32, #tpu.memory_space<vmem>> -> memref<100xi32, #tpu.memory_space<vmem>>
        %dma_wait3A_112 = arith.constant 0 : i32
        %dma_wait3A_113 = arith.constant 0 : i32
        %dma_wait3A_114 = tpu.memref_slice %arg2[%dma_wait3A_112, %dma_wait3A_113] : memref<10000x16xf32, #tpu.memory_space<hbm>> -> memref<10000x16xf32, #tpu.memory_space<hbm>>
        tpu.wait_indirect_dma semaphore(%arg14 : memref<!tpu.dma_semaphore, #tpu.memory_space<semaphore_mem>>) src(%dma_wait3A_114 : memref<10000x16xf32, #tpu.memory_space<hbm>>) dst(%arg9 : memref<100x16xf32, #tpu.memory_space<vmem>>)
        %add3A_115 = arith.constant 1 : i32
        %add3A_116 = arith.addi %mul3A_86, %add3A_115 : i32
        %dma_start3A_117 = arith.constant 0 : i32
        %dma_start3A_118 = tpu.memref_slice %arg7[%add3A_116, %dma_start3A_117] : memref<20x100xi32, #tpu.memory_space<vmem>> -> memref<1x100xi32, #tpu.memory_space<vmem>>
        %dma_start3A_119 = tpu.memref_squeeze %dma_start3A_118 : memref<1x100xi32, #tpu.memory_space<vmem>> -> memref<100xi32, #tpu.memory_space<vmem>>
        %dma_start3A_120 = arith.constant 0 : i32
        %dma_start3A_121 = arith.constant 0 : i32
        %dma_start3A_122 = tpu.memref_slice %arg12[%dma_start3A_120, %dma_start3A_121] : memref<10240x16xf32, #tpu.memory_space<vmem_shared>> -> memref<10240x16xf32, #tpu.memory_space<vmem_shared>>
        tpu.enqueue_indirect_dma source(%arg9 : memref<100x16xf32, #tpu.memory_space<vmem>>) target(%dma_start3A_122 : memref<10240x16xf32, #tpu.memory_space<vmem_shared>>) offsets(%dma_start3A_119 : memref<100xi32, #tpu.memory_space<vmem>>) semaphore(%arg18 : memref<!tpu.dma_semaphore, #tpu.memory_space<semaphore_mem>>) {add = true}
        %add3A_123 = arith.constant 1 : i32
        %add3A_124 = arith.addi %mul3A_86, %add3A_123 : i32
        %add3A_125 = arith.constant 4 : i32
        %add3A_126 = arith.addi %add3A_124, %add3A_125 : i32
        %lt3A_127 = arith.constant 20 : i32
        %lt3A_128 = arith.cmpi slt, %add3A_126, %lt3A_127 : i32
        %convert_element_type3A_129 = arith.extui %lt3A_128 : i1 to i32
        %cond3A_130 = arith.constant 0 : i32
        %cond3A_131 = arith.cmpi ne, %convert_element_type3A_129, %cond3A_130 : i32
        scf.if %cond3A_131 {
          %dma_wait3A_180 = arith.constant 0 : i32
          %dma_wait3A_181 = arith.constant 0 : i32
          %dma_wait3A_182 = tpu.memref_slice %arg7[%dma_wait3A_180, %dma_wait3A_181] : memref<20x100xi32, #tpu.memory_space<vmem>> -> memref<1x100xi32, #tpu.memory_space<vmem>>
          %dma_wait3A_183 = tpu.memref_squeeze %dma_wait3A_182 : memref<1x100xi32, #tpu.memory_space<vmem>> -> memref<100xi32, #tpu.memory_space<vmem>>
          %dma_wait3A_184 = arith.constant 0 : i32
          %dma_wait3A_185 = arith.constant 0 : i32
          %dma_wait3A_186 = tpu.memref_slice %arg12[%dma_wait3A_184, %dma_wait3A_185] : memref<10240x16xf32, #tpu.memory_space<vmem_shared>> -> memref<10240x16xf32, #tpu.memory_space<vmem_shared>>
          tpu.wait_indirect_dma semaphore(%arg18 : memref<!tpu.dma_semaphore, #tpu.memory_space<semaphore_mem>>) src(%arg9 : memref<100x16xf32, #tpu.memory_space<vmem>>) dst(%dma_wait3A_186 : memref<10240x16xf32, #tpu.memory_space<vmem_shared>>)
          %add3A_187 = arith.constant 1 : i32
          %add3A_188 = arith.addi %mul3A_86, %add3A_187 : i32
          %add3A_189 = arith.constant 4 : i32
          %add3A_190 = arith.addi %add3A_188, %add3A_189 : i32
          %dma_start3A_191 = arith.constant 0 : i32
          %dma_start3A_192 = tpu.memref_slice %arg6[%add3A_190, %dma_start3A_191] : memref<20x100xi32, #tpu.memory_space<vmem>> -> memref<1x100xi32, #tpu.memory_space<vmem>>
          %dma_start3A_193 = tpu.memref_squeeze %dma_start3A_192 : memref<1x100xi32, #tpu.memory_space<vmem>> -> memref<100xi32, #tpu.memory_space<vmem>>
          %dma_start3A_194 = arith.constant 0 : i32
          %dma_start3A_195 = arith.constant 0 : i32
          %dma_start3A_196 = tpu.memref_slice %arg2[%dma_start3A_194, %dma_start3A_195] : memref<10000x16xf32, #tpu.memory_space<hbm>> -> memref<10000x16xf32, #tpu.memory_space<hbm>>
          tpu.enqueue_indirect_dma source(%dma_start3A_196 : memref<10000x16xf32, #tpu.memory_space<hbm>>) target(%arg9 : memref<100x16xf32, #tpu.memory_space<vmem>>) offsets(%dma_start3A_193 : memref<100xi32, #tpu.memory_space<vmem>>) semaphore(%arg14 : memref<!tpu.dma_semaphore, #tpu.memory_space<semaphore_mem>>)
        } else {
        }
        %dma_wait3A_132 = arith.constant 0 : i32
        %dma_wait3A_133 = arith.constant 0 : i32
        %dma_wait3A_134 = tpu.memref_slice %arg6[%dma_wait3A_132, %dma_wait3A_133] : memref<20x100xi32, #tpu.memory_space<vmem>> -> memref<1x100xi32, #tpu.memory_space<vmem>>
        %dma_wait3A_135 = tpu.memref_squeeze %dma_wait3A_134 : memref<1x100xi32, #tpu.memory_space<vmem>> -> memref<100xi32, #tpu.memory_space<vmem>>
        %dma_wait3A_136 = arith.constant 0 : i32
        %dma_wait3A_137 = arith.constant 0 : i32
        %dma_wait3A_138 = tpu.memref_slice %arg2[%dma_wait3A_136, %dma_wait3A_137] : memref<10000x16xf32, #tpu.memory_space<hbm>> -> memref<10000x16xf32, #tpu.memory_space<hbm>>
        tpu.wait_indirect_dma semaphore(%arg15 : memref<!tpu.dma_semaphore, #tpu.memory_space<semaphore_mem>>) src(%dma_wait3A_138 : memref<10000x16xf32, #tpu.memory_space<hbm>>) dst(%arg10 : memref<100x16xf32, #tpu.memory_space<vmem>>)
        %add3A_139 = arith.constant 2 : i32
        %add3A_140 = arith.addi %mul3A_86, %add3A_139 : i32
        %dma_start3A_141 = arith.constant 0 : i32
        %dma_start3A_142 = tpu.memref_slice %arg7[%add3A_140, %dma_start3A_141] : memref<20x100xi32, #tpu.memory_space<vmem>> -> memref<1x100xi32, #tpu.memory_space<vmem>>
        %dma_start3A_143 = tpu.memref_squeeze %dma_start3A_142 : memref<1x100xi32, #tpu.memory_space<vmem>> -> memref<100xi32, #tpu.memory_space<vmem>>
        %dma_start3A_144 = arith.constant 0 : i32
        %dma_start3A_145 = arith.constant 0 : i32
        %dma_start3A_146 = tpu.memref_slice %arg12[%dma_start3A_144, %dma_start3A_145] : memref<10240x16xf32, #tpu.memory_space<vmem_shared>> -> memref<10240x16xf32, #tpu.memory_space<vmem_shared>>
        tpu.enqueue_indirect_dma source(%arg10 : memref<100x16xf32, #tpu.memory_space<vmem>>) target(%dma_start3A_146 : memref<10240x16xf32, #tpu.memory_space<vmem_shared>>) offsets(%dma_start3A_143 : memref<100xi32, #tpu.memory_space<vmem>>) semaphore(%arg19 : memref<!tpu.dma_semaphore, #tpu.memory_space<semaphore_mem>>) {add = true}
        %add3A_147 = arith.constant 2 : i32
        %add3A_148 = arith.addi %mul3A_86, %add3A_147 : i32
        %add3A_149 = arith.constant 4 : i32
        %add3A_150 = arith.addi %add3A_148, %add3A_149 : i32
        %lt3A_151 = arith.constant 20 : i32
        %lt3A_152 = arith.cmpi slt, %add3A_150, %lt3A_151 : i32
        %convert_element_type3A_153 = arith.extui %lt3A_152 : i1 to i32
        %cond3A_154 = arith.constant 0 : i32
        %cond3A_155 = arith.cmpi ne, %convert_element_type3A_153, %cond3A_154 : i32
        scf.if %cond3A_155 {
          %dma_wait3A_180 = arith.constant 0 : i32
          %dma_wait3A_181 = arith.constant 0 : i32
          %dma_wait3A_182 = tpu.memref_slice %arg7[%dma_wait3A_180, %dma_wait3A_181] : memref<20x100xi32, #tpu.memory_space<vmem>> -> memref<1x100xi32, #tpu.memory_space<vmem>>
          %dma_wait3A_183 = tpu.memref_squeeze %dma_wait3A_182 : memref<1x100xi32, #tpu.memory_space<vmem>> -> memref<100xi32, #tpu.memory_space<vmem>>
          %dma_wait3A_184 = arith.constant 0 : i32
          %dma_wait3A_185 = arith.constant 0 : i32
          %dma_wait3A_186 = tpu.memref_slice %arg12[%dma_wait3A_184, %dma_wait3A_185] : memref<10240x16xf32, #tpu.memory_space<vmem_shared>> -> memref<10240x16xf32, #tpu.memory_space<vmem_shared>>
          tpu.wait_indirect_dma semaphore(%arg19 : memref<!tpu.dma_semaphore, #tpu.memory_space<semaphore_mem>>) src(%arg10 : memref<100x16xf32, #tpu.memory_space<vmem>>) dst(%dma_wait3A_186 : memref<10240x16xf32, #tpu.memory_space<vmem_shared>>)
          %add3A_187 = arith.constant 2 : i32
          %add3A_188 = arith.addi %mul3A_86, %add3A_187 : i32
          %add3A_189 = arith.constant 4 : i32
          %add3A_190 = arith.addi %add3A_188, %add3A_189 : i32
          %dma_start3A_191 = arith.constant 0 : i32
          %dma_start3A_192 = tpu.memref_slice %arg6[%add3A_190, %dma_start3A_191] : memref<20x100xi32, #tpu.memory_space<vmem>> -> memref<1x100xi32, #tpu.memory_space<vmem>>
          %dma_start3A_193 = tpu.memref_squeeze %dma_start3A_192 : memref<1x100xi32, #tpu.memory_space<vmem>> -> memref<100xi32, #tpu.memory_space<vmem>>
          %dma_start3A_194 = arith.constant 0 : i32
          %dma_start3A_195 = arith.constant 0 : i32
          %dma_start3A_196 = tpu.memref_slice %arg2[%dma_start3A_194, %dma_start3A_195] : memref<10000x16xf32, #tpu.memory_space<hbm>> -> memref<10000x16xf32, #tpu.memory_space<hbm>>
          tpu.enqueue_indirect_dma source(%dma_start3A_196 : memref<10000x16xf32, #tpu.memory_space<hbm>>) target(%arg10 : memref<100x16xf32, #tpu.memory_space<vmem>>) offsets(%dma_start3A_193 : memref<100xi32, #tpu.memory_space<vmem>>) semaphore(%arg15 : memref<!tpu.dma_semaphore, #tpu.memory_space<semaphore_mem>>)
        } else {
        }
        %dma_wait3A_156 = arith.constant 0 : i32
        %dma_wait3A_157 = arith.constant 0 : i32
        %dma_wait3A_158 = tpu.memref_slice %arg6[%dma_wait3A_156, %dma_wait3A_157] : memref<20x100xi32, #tpu.memory_space<vmem>> -> memref<1x100xi32, #tpu.memory_space<vmem>>
        %dma_wait3A_159 = tpu.memref_squeeze %dma_wait3A_158 : memref<1x100xi32, #tpu.memory_space<vmem>> -> memref<100xi32, #tpu.memory_space<vmem>>
        %dma_wait3A_160 = arith.constant 0 : i32
        %dma_wait3A_161 = arith.constant 0 : i32
        %dma_wait3A_162 = tpu.memref_slice %arg2[%dma_wait3A_160, %dma_wait3A_161] : memref<10000x16xf32, #tpu.memory_space<hbm>> -> memref<10000x16xf32, #tpu.memory_space<hbm>>
        tpu.wait_indirect_dma semaphore(%arg16 : memref<!tpu.dma_semaphore, #tpu.memory_space<semaphore_mem>>) src(%dma_wait3A_162 : memref<10000x16xf32, #tpu.memory_space<hbm>>) dst(%arg11 : memref<100x16xf32, #tpu.memory_space<vmem>>)
        %add3A_163 = arith.constant 3 : i32
        %add3A_164 = arith.addi %mul3A_86, %add3A_163 : i32
        %dma_start3A_165 = arith.constant 0 : i32
        %dma_start3A_166 = tpu.memref_slice %arg7[%add3A_164, %dma_start3A_165] : memref<20x100xi32, #tpu.memory_space<vmem>> -> memref<1x100xi32, #tpu.memory_space<vmem>>
        %dma_start3A_167 = tpu.memref_squeeze %dma_start3A_166 : memref<1x100xi32, #tpu.memory_space<vmem>> -> memref<100xi32, #tpu.memory_space<vmem>>
        %dma_start3A_168 = arith.constant 0 : i32
        %dma_start3A_169 = arith.constant 0 : i32
        %dma_start3A_170 = tpu.memref_slice %arg12[%dma_start3A_168, %dma_start3A_169] : memref<10240x16xf32, #tpu.memory_space<vmem_shared>> -> memref<10240x16xf32, #tpu.memory_space<vmem_shared>>
        tpu.enqueue_indirect_dma source(%arg11 : memref<100x16xf32, #tpu.memory_space<vmem>>) target(%dma_start3A_170 : memref<10240x16xf32, #tpu.memory_space<vmem_shared>>) offsets(%dma_start3A_167 : memref<100xi32, #tpu.memory_space<vmem>>) semaphore(%arg20 : memref<!tpu.dma_semaphore, #tpu.memory_space<semaphore_mem>>) {add = true}
        %add3A_171 = arith.constant 3 : i32
        %add3A_172 = arith.addi %mul3A_86, %add3A_171 : i32
        %add3A_173 = arith.constant 4 : i32
        %add3A_174 = arith.addi %add3A_172, %add3A_173 : i32
        %lt3A_175 = arith.constant 20 : i32
        %lt3A_176 = arith.cmpi slt, %add3A_174, %lt3A_175 : i32
        %convert_element_type3A_177 = arith.extui %lt3A_176 : i1 to i32
        %cond3A_178 = arith.constant 0 : i32
        %cond3A_179 = arith.cmpi ne, %convert_element_type3A_177, %cond3A_178 : i32
        scf.if %cond3A_179 {
          %dma_wait3A_180 = arith.constant 0 : i32
          %dma_wait3A_181 = arith.constant 0 : i32
          %dma_wait3A_182 = tpu.memref_slice %arg7[%dma_wait3A_180, %dma_wait3A_181] : memref<20x100xi32, #tpu.memory_space<vmem>> -> memref<1x100xi32, #tpu.memory_space<vmem>>
          %dma_wait3A_183 = tpu.memref_squeeze %dma_wait3A_182 : memref<1x100xi32, #tpu.memory_space<vmem>> -> memref<100xi32, #tpu.memory_space<vmem>>
          %dma_wait3A_184 = arith.constant 0 : i32
          %dma_wait3A_185 = arith.constant 0 : i32
          %dma_wait3A_186 = tpu.memref_slice %arg12[%dma_wait3A_184, %dma_wait3A_185] : memref<10240x16xf32, #tpu.memory_space<vmem_shared>> -> memref<10240x16xf32, #tpu.memory_space<vmem_shared>>
          tpu.wait_indirect_dma semaphore(%arg20 : memref<!tpu.dma_semaphore, #tpu.memory_space<semaphore_mem>>) src(%arg11 : memref<100x16xf32, #tpu.memory_space<vmem>>) dst(%dma_wait3A_186 : memref<10240x16xf32, #tpu.memory_space<vmem_shared>>)
          %add3A_187 = arith.constant 3 : i32
          %add3A_188 = arith.addi %mul3A_86, %add3A_187 : i32
          %add3A_189 = arith.constant 4 : i32
          %add3A_190 = arith.addi %add3A_188, %add3A_189 : i32
          %dma_start3A_191 = arith.constant 0 : i32
          %dma_start3A_192 = tpu.memref_slice %arg6[%add3A_190, %dma_start3A_191] : memref<20x100xi32, #tpu.memory_space<vmem>> -> memref<1x100xi32, #tpu.memory_space<vmem>>
          %dma_start3A_193 = tpu.memref_squeeze %dma_start3A_192 : memref<1x100xi32, #tpu.memory_space<vmem>> -> memref<100xi32, #tpu.memory_space<vmem>>
          %dma_start3A_194 = arith.constant 0 : i32
          %dma_start3A_195 = arith.constant 0 : i32
          %dma_start3A_196 = tpu.memref_slice %arg2[%dma_start3A_194, %dma_start3A_195] : memref<10000x16xf32, #tpu.memory_space<hbm>> -> memref<10000x16xf32, #tpu.memory_space<hbm>>
          tpu.enqueue_indirect_dma source(%dma_start3A_196 : memref<10000x16xf32, #tpu.memory_space<hbm>>) target(%arg11 : memref<100x16xf32, #tpu.memory_space<vmem>>) offsets(%dma_start3A_193 : memref<100xi32, #tpu.memory_space<vmem>>) semaphore(%arg16 : memref<!tpu.dma_semaphore, #tpu.memory_space<semaphore_mem>>)
        } else {
        }
      }
      %scan3A_56 = arith.constant 5 : i32
      %dma_wait3A = arith.constant 0 : i32
      %dma_wait3A_57 = arith.constant 0 : i32
      %dma_wait3A_58 = tpu.memref_slice %arg7[%dma_wait3A, %dma_wait3A_57] : memref<20x100xi32, #tpu.memory_space<vmem>> -> memref<1x100xi32, #tpu.memory_space<vmem>>
      %dma_wait3A_59 = tpu.memref_squeeze %dma_wait3A_58 : memref<1x100xi32, #tpu.memory_space<vmem>> -> memref<100xi32, #tpu.memory_space<vmem>>
      %dma_wait3A_60 = arith.constant 0 : i32
      %dma_wait3A_61 = arith.constant 0 : i32
      %dma_wait3A_62 = tpu.memref_slice %arg12[%dma_wait3A_60, %dma_wait3A_61] : memref<10240x16xf32, #tpu.memory_space<vmem_shared>> -> memref<10240x16xf32, #tpu.memory_space<vmem_shared>>
      tpu.wait_indirect_dma semaphore(%arg17 : memref<!tpu.dma_semaphore, #tpu.memory_space<semaphore_mem>>) src(%arg8 : memref<100x16xf32, #tpu.memory_space<vmem>>) dst(%dma_wait3A_62 : memref<10240x16xf32, #tpu.memory_space<vmem_shared>>)
      %dma_wait3A_63 = arith.constant 0 : i32
      %dma_wait3A_64 = arith.constant 0 : i32
      %dma_wait3A_65 = tpu.memref_slice %arg7[%dma_wait3A_63, %dma_wait3A_64] : memref<20x100xi32, #tpu.memory_space<vmem>> -> memref<1x100xi32, #tpu.memory_space<vmem>>
      %dma_wait3A_66 = tpu.memref_squeeze %dma_wait3A_65 : memref<1x100xi32, #tpu.memory_space<vmem>> -> memref<100xi32, #tpu.memory_space<vmem>>
      %dma_wait3A_67 = arith.constant 0 : i32
      %dma_wait3A_68 = arith.constant 0 : i32
      %dma_wait3A_69 = tpu.memref_slice %arg12[%dma_wait3A_67, %dma_wait3A_68] : memref<10240x16xf32, #tpu.memory_space<vmem_shared>> -> memref<10240x16xf32, #tpu.memory_space<vmem_shared>>
      tpu.wait_indirect_dma semaphore(%arg18 : memref<!tpu.dma_semaphore, #tpu.memory_space<semaphore_mem>>) src(%arg9 : memref<100x16xf32, #tpu.memory_space<vmem>>) dst(%dma_wait3A_69 : memref<10240x16xf32, #tpu.memory_space<vmem_shared>>)
      %dma_wait3A_70 = arith.constant 0 : i32
      %dma_wait3A_71 = arith.constant 0 : i32
      %dma_wait3A_72 = tpu.memref_slice %arg7[%dma_wait3A_70, %dma_wait3A_71] : memref<20x100xi32, #tpu.memory_space<vmem>> -> memref<1x100xi32, #tpu.memory_space<vmem>>
      %dma_wait3A_73 = tpu.memref_squeeze %dma_wait3A_72 : memref<1x100xi32, #tpu.memory_space<vmem>> -> memref<100xi32, #tpu.memory_space<vmem>>
      %dma_wait3A_74 = arith.constant 0 : i32
      %dma_wait3A_75 = arith.constant 0 : i32
      %dma_wait3A_76 = tpu.memref_slice %arg12[%dma_wait3A_74, %dma_wait3A_75] : memref<10240x16xf32, #tpu.memory_space<vmem_shared>> -> memref<10240x16xf32, #tpu.memory_space<vmem_shared>>
      tpu.wait_indirect_dma semaphore(%arg19 : memref<!tpu.dma_semaphore, #tpu.memory_space<semaphore_mem>>) src(%arg10 : memref<100x16xf32, #tpu.memory_space<vmem>>) dst(%dma_wait3A_76 : memref<10240x16xf32, #tpu.memory_space<vmem_shared>>)
      %dma_wait3A_77 = arith.constant 0 : i32
      %dma_wait3A_78 = arith.constant 0 : i32
      %dma_wait3A_79 = tpu.memref_slice %arg7[%dma_wait3A_77, %dma_wait3A_78] : memref<20x100xi32, #tpu.memory_space<vmem>> -> memref<1x100xi32, #tpu.memory_space<vmem>>
      %dma_wait3A_80 = tpu.memref_squeeze %dma_wait3A_79 : memref<1x100xi32, #tpu.memory_space<vmem>> -> memref<100xi32, #tpu.memory_space<vmem>>
      %dma_wait3A_81 = arith.constant 0 : i32
      %dma_wait3A_82 = arith.constant 0 : i32
      %dma_wait3A_83 = tpu.memref_slice %arg12[%dma_wait3A_81, %dma_wait3A_82] : memref<10240x16xf32, #tpu.memory_space<vmem_shared>> -> memref<10240x16xf32, #tpu.memory_space<vmem_shared>>
      tpu.wait_indirect_dma semaphore(%arg20 : memref<!tpu.dma_semaphore, #tpu.memory_space<semaphore_mem>>) src(%arg11 : memref<100x16xf32, #tpu.memory_space<vmem>>) dst(%dma_wait3A_83 : memref<10240x16xf32, #tpu.memory_space<vmem_shared>>)
    }
    %scan3A_9 = arith.constant 5 : i32
    %barrier3A_10 = arith.constant 0 : index
    tpu.barrier barrier_id(%barrier3A_10)
    %mul3A_11 = arith.constant 640 : i32
    %mul3A_12 = arith.muli %arg1, %mul3A_11 : i32
    %mul3A_13 = arith.constant 10240 : i32
    %mul3A_14 = arith.muli %arg0, %mul3A_13 : i32
    %mul3A_15 = arith.constant 640 : i32
    %mul3A_16 = arith.muli %arg1, %mul3A_15 : i32
    %add3A_17 = arith.addi %mul3A_14, %mul3A_16 : i32
    "tpu.region"() ({
      %run_scoped3A = tpu.sem_alloc : memref<!tpu.dma_semaphore, #tpu.memory_space<semaphore_mem>>
      %dma_start3A = arith.constant 0 : i32
      %dma_start3A_18 = tpu.memref_slice %arg5[%add3A_17, %dma_start3A] : memref<20480x16xf32, #tpu.memory_space<hbm>> -> memref<640x16xf32, #tpu.memory_space<hbm>>
      %dma_start3A_19 = arith.constant 0 : i32
      %dma_start3A_20 = tpu.memref_slice %arg12[%mul3A_12, %dma_start3A_19] : memref<10240x16xf32, #tpu.memory_space<vmem_shared>> -> memref<640x16xf32, #tpu.memory_space<vmem_shared>>
      tpu.enqueue_dma source(%dma_start3A_20 : memref<640x16xf32, #tpu.memory_space<vmem_shared>>) target(%dma_start3A_18 : memref<640x16xf32, #tpu.memory_space<hbm>>) target_semaphore(%run_scoped3A : memref<!tpu.dma_semaphore, #tpu.memory_space<semaphore_mem>>)
      %dma_wait3A = arith.constant 0 : i32
      %dma_wait3A_21 = tpu.memref_slice %arg5[%add3A_17, %dma_wait3A] : memref<20480x16xf32, #tpu.memory_space<hbm>> -> memref<640x16xf32, #tpu.memory_space<hbm>>
      %dma_wait3A_22 = arith.constant 0 : i32
      %dma_wait3A_23 = tpu.memref_slice %arg12[%mul3A_12, %dma_wait3A_22] : memref<10240x16xf32, #tpu.memory_space<vmem_shared>> -> memref<640x16xf32, #tpu.memory_space<vmem_shared>>
      tpu.wait_dma2 semaphore(%run_scoped3A : memref<!tpu.dma_semaphore, #tpu.memory_space<semaphore_mem>>) src(%dma_wait3A_23 : memref<640x16xf32, #tpu.memory_space<vmem_shared>>) dst(%dma_wait3A_21 : memref<640x16xf32, #tpu.memory_space<hbm>>)
      tpu.yield
    }) : () -> ()
    return
  }
}

module attributes {stable_mosaic.version = 14 : i64} {
  func.func @body(%arg0: memref<20480x144xf32, #tpu.memory_space<vmem>>, %arg1: memref<10000x128xf32, #tpu.memory_space<vmem>>, %arg2: memref<128x16xf32, #tpu.memory_space<vmem>>, %arg3: memref<128x16xf32, #tpu.memory_space<vmem>>, %arg4: memref<1x16xf32, #tpu.memory_space<vmem>>, %arg5: memref<10000x16xf32, #tpu.memory_space<vmem>>) attributes {dimension_semantics = [], scalar_prefetch = 0 : i64, scratch_operands = 0 : i64, tpu.core_type = #tpu.core_type<tc>} {
    %get3A = arith.constant 0 : index
    %get3A_0 = arith.constant 0 : index
    %get3A_1 = vector.load %arg0[%get3A, %get3A_0] : memref<20480x144xf32, #tpu.memory_space<vmem>>, vector<10000x144xf32>
    %get3A_2 = arith.constant 10240 : index
    %get3A_3 = arith.constant 0 : index
    %get3A_4 = vector.load %arg0[%get3A_2, %get3A_3] : memref<20480x144xf32, #tpu.memory_space<vmem>>, vector<10000x144xf32>
    %add3A = arith.addf %get3A_1, %get3A_4 : vector<10000x144xf32>
    %slice3A = vector.extract_strided_slice %add3A {offsets = [0, 128], sizes = [10000, 1], strides = [1, 1]} : vector<10000x144xf32> to vector<10000x1xf32>
    %max3A = arith.constant 1.000000e+00 : f32
    %max3A_5 = vector.broadcast %max3A : f32 to vector<10000x1xf32>
    %max3A_6 = arith.maximumf %slice3A, %max3A_5 : vector<10000x1xf32>
    %slice3A_7 = vector.extract_strided_slice %add3A {offsets = [0, 0], sizes = [10000, 128], strides = [1, 1]} : vector<10000x144xf32> to vector<10000x128xf32>
    %div3A = vector.broadcast %max3A_6 : vector<10000x1xf32> to vector<10000x128xf32>
    %div3A_8 = arith.divf %slice3A_7, %div3A : vector<10000x128xf32>
    %get3A_9 = arith.constant 0 : index
    %get3A_10 = arith.constant 0 : index
    %get3A_11 = vector.load %arg2[%get3A_9, %get3A_10] : memref<128x16xf32, #tpu.memory_space<vmem>>, vector<128x16xf32>
    %dot_general3A = arith.constant dense<0.000000e+00> : vector<10000x16xf32>
    %dot_general3A_12 = tpu.matmul %div3A_8, %get3A_11, %dot_general3A {dimension_numbers = #tpu.dot_dimension_numbers<[1], [0], [0], [1], [0, 0, 1, 1], [], []>, transpose_lhs_hint = false} : vector<10000x128xf32>, vector<128x16xf32>, vector<10000x16xf32> -> vector<10000x16xf32>
    %get3A_13 = arith.constant 0 : index
    %get3A_14 = arith.constant 0 : index
    %get3A_15 = vector.load %arg4[%get3A_13, %get3A_14] : memref<1x16xf32, #tpu.memory_space<vmem>>, vector<1x16xf32>
    %add3A_16 = vector.broadcast %get3A_15 : vector<1x16xf32> to vector<10000x16xf32>
    %add3A_17 = arith.addf %dot_general3A_12, %add3A_16 : vector<10000x16xf32>
    %get3A_18 = arith.constant 0 : index
    %get3A_19 = arith.constant 0 : index
    %get3A_20 = vector.load %arg1[%get3A_18, %get3A_19] : memref<10000x128xf32, #tpu.memory_space<vmem>>, vector<10000x128xf32>
    %get3A_21 = arith.constant 0 : index
    %get3A_22 = arith.constant 0 : index
    %get3A_23 = vector.load %arg3[%get3A_21, %get3A_22] : memref<128x16xf32, #tpu.memory_space<vmem>>, vector<128x16xf32>
    %dot_general3A_24 = arith.constant dense<0.000000e+00> : vector<10000x16xf32>
    %dot_general3A_25 = tpu.matmul %get3A_20, %get3A_23, %dot_general3A_24 {dimension_numbers = #tpu.dot_dimension_numbers<[1], [0], [0], [1], [0, 0, 1, 1], [], []>, transpose_lhs_hint = false} : vector<10000x128xf32>, vector<128x16xf32>, vector<10000x16xf32> -> vector<10000x16xf32>
    %add3A_26 = arith.addf %add3A_17, %dot_general3A_25 : vector<10000x16xf32>
    %max3A_27 = arith.constant 0.000000e+00 : f32
    %max3A_28 = vector.broadcast %max3A_27 : f32 to vector<10000x16xf32>
    %max3A_29 = arith.maximumf %add3A_26, %max3A_28 : vector<10000x16xf32>
    %abs3A = math.absf %add3A_26 : vector<10000x16xf32>
    %neg3A = arith.constant 0.000000e+00 : f32
    %neg3A_30 = vector.broadcast %neg3A : f32 to vector<10000x16xf32>
    %neg3A_31 = arith.subf %neg3A_30, %abs3A : vector<10000x16xf32>
    %exp3A = math.exp %neg3A_31 : vector<10000x16xf32>
    %log1p3A = math.log1p %exp3A : vector<10000x16xf32>
    %add3A_32 = arith.addf %max3A_29, %log1p3A : vector<10000x16xf32>
    %iota3A = tpu.iota {dimensions = array<i32: 1>} : vector<10000x16xi32>
    %eq3A = arith.constant 15 : i32
    %eq3A_33 = vector.broadcast %eq3A : i32 to vector<10000x16xi32>
    %eq3A_34 = arith.cmpi eq, %iota3A, %eq3A_33 : vector<10000x16xi32>
    %jit3A = arith.constant 1.000000e+00 : f32
    %broadcast_in_dim3A = vector.broadcast %jit3A : f32 to vector<10000x16xf32>
    %select_n3A = arith.select %eq3A_34, %broadcast_in_dim3A, %add3A_32 : vector<10000x16xi1>, vector<10000x16xf32>
    %swap3A = arith.constant 0 : index
    %swap3A_35 = arith.constant 0 : index
    %swap3A_36 = vector.load %arg5[%swap3A, %swap3A_35] : memref<10000x16xf32, #tpu.memory_space<vmem>>, vector<10000x16xf32>
    tpu.vector_store %arg5[%swap3A, %swap3A_35], %select_n3A {strides = array<i32>} : memref<10000x16xf32, #tpu.memory_space<vmem>>, vector<10000x16xf32>,
    return
  }
}

module attributes {stable_mosaic.version = 14 : i64} {
  func.func @body(%arg0: memref<20480x16xf32, #tpu.memory_space<vmem>>, %arg1: memref<10000x16xf32, #tpu.memory_space<vmem>>, %arg2: memref<16x16xf32, #tpu.memory_space<vmem>>, %arg3: memref<16x16xf32, #tpu.memory_space<vmem>>, %arg4: memref<1x16xf32, #tpu.memory_space<vmem>>, %arg5: memref<16x128xf32, #tpu.memory_space<vmem>>, %arg6: memref<1x128xf32, #tpu.memory_space<vmem>>, %arg7: memref<128x8xf32, #tpu.memory_space<vmem>>, %arg8: memref<1x8xf32, #tpu.memory_space<vmem>>, %arg9: memref<10000x1xf32, #tpu.memory_space<vmem>>) attributes {dimension_semantics = [], scalar_prefetch = 0 : i64, scratch_operands = 0 : i64, tpu.core_type = #tpu.core_type<tc>} {
    %get3A = arith.constant 0 : index
    %get3A_0 = arith.constant 0 : index
    %get3A_1 = vector.load %arg0[%get3A, %get3A_0] : memref<20480x16xf32, #tpu.memory_space<vmem>>, vector<10000x16xf32>
    %get3A_2 = arith.constant 10240 : index
    %get3A_3 = arith.constant 0 : index
    %get3A_4 = vector.load %arg0[%get3A_2, %get3A_3] : memref<20480x16xf32, #tpu.memory_space<vmem>>, vector<10000x16xf32>
    %add3A = arith.addf %get3A_1, %get3A_4 : vector<10000x16xf32>
    %slice3A = vector.extract_strided_slice %add3A {offsets = [0, 15], sizes = [10000, 1], strides = [1, 1]} : vector<10000x16xf32> to vector<10000x1xf32>
    %max3A = arith.constant 1.000000e+00 : f32
    %max3A_5 = vector.broadcast %max3A : f32 to vector<10000x1xf32>
    %max3A_6 = arith.maximumf %slice3A, %max3A_5 : vector<10000x1xf32>
    %div3A = vector.broadcast %max3A_6 : vector<10000x1xf32> to vector<10000x16xf32>
    %div3A_7 = arith.divf %add3A, %div3A : vector<10000x16xf32>
    %get3A_8 = arith.constant 0 : index
    %get3A_9 = arith.constant 0 : index
    %get3A_10 = vector.load %arg2[%get3A_8, %get3A_9] : memref<16x16xf32, #tpu.memory_space<vmem>>, vector<16x16xf32>
    %dot_general3A = arith.constant dense<0.000000e+00> : vector<10000x16xf32>
    %dot_general3A_11 = tpu.matmul %div3A_7, %get3A_10, %dot_general3A {dimension_numbers = #tpu.dot_dimension_numbers<[1], [0], [0], [1], [0, 0, 1, 1], [], []>, transpose_lhs_hint = false} : vector<10000x16xf32>, vector<16x16xf32>, vector<10000x16xf32> -> vector<10000x16xf32>
    %get3A_12 = arith.constant 0 : index
    %get3A_13 = arith.constant 0 : index
    %get3A_14 = vector.load %arg4[%get3A_12, %get3A_13] : memref<1x16xf32, #tpu.memory_space<vmem>>, vector<1x16xf32>
    %add3A_15 = vector.broadcast %get3A_14 : vector<1x16xf32> to vector<10000x16xf32>
    %add3A_16 = arith.addf %dot_general3A_11, %add3A_15 : vector<10000x16xf32>
    %get3A_17 = arith.constant 0 : index
    %get3A_18 = arith.constant 0 : index
    %get3A_19 = vector.load %arg1[%get3A_17, %get3A_18] : memref<10000x16xf32, #tpu.memory_space<vmem>>, vector<10000x16xf32>
    %get3A_20 = arith.constant 0 : index
    %get3A_21 = arith.constant 0 : index
    %get3A_22 = vector.load %arg3[%get3A_20, %get3A_21] : memref<16x16xf32, #tpu.memory_space<vmem>>, vector<16x16xf32>
    %dot_general3A_23 = arith.constant dense<0.000000e+00> : vector<10000x16xf32>
    %dot_general3A_24 = tpu.matmul %get3A_19, %get3A_22, %dot_general3A_23 {dimension_numbers = #tpu.dot_dimension_numbers<[1], [0], [0], [1], [0, 0, 1, 1], [], []>, transpose_lhs_hint = false} : vector<10000x16xf32>, vector<16x16xf32>, vector<10000x16xf32> -> vector<10000x16xf32>
    %add3A_25 = arith.addf %add3A_16, %dot_general3A_24 : vector<10000x16xf32>
    %max3A_26 = arith.constant 0.000000e+00 : f32
    %max3A_27 = vector.broadcast %max3A_26 : f32 to vector<10000x16xf32>
    %max3A_28 = arith.maximumf %add3A_25, %max3A_27 : vector<10000x16xf32>
    %abs3A = math.absf %add3A_25 : vector<10000x16xf32>
    %neg3A = arith.constant 0.000000e+00 : f32
    %neg3A_29 = vector.broadcast %neg3A : f32 to vector<10000x16xf32>
    %neg3A_30 = arith.subf %neg3A_29, %abs3A : vector<10000x16xf32>
    %exp3A = math.exp %neg3A_30 : vector<10000x16xf32>
    %log1p3A = math.log1p %exp3A : vector<10000x16xf32>
    %add3A_31 = arith.addf %max3A_28, %log1p3A : vector<10000x16xf32>
    %get3A_32 = arith.constant 0 : index
    %get3A_33 = arith.constant 0 : index
    %get3A_34 = vector.load %arg5[%get3A_32, %get3A_33] : memref<16x128xf32, #tpu.memory_space<vmem>>, vector<16x128xf32>
    %dot_general3A_35 = arith.constant dense<0.000000e+00> : vector<10000x128xf32>
    %dot_general3A_36 = tpu.matmul %add3A_31, %get3A_34, %dot_general3A_35 {dimension_numbers = #tpu.dot_dimension_numbers<[1], [0], [0], [1], [0, 0, 1, 1], [], []>, transpose_lhs_hint = false} : vector<10000x16xf32>, vector<16x128xf32>, vector<10000x128xf32> -> vector<10000x128xf32>
    %get3A_37 = arith.constant 0 : index
    %get3A_38 = arith.constant 0 : index
    %get3A_39 = vector.load %arg6[%get3A_37, %get3A_38] : memref<1x128xf32, #tpu.memory_space<vmem>>, vector<1x128xf32>
    %add3A_40 = vector.broadcast %get3A_39 : vector<1x128xf32> to vector<10000x128xf32>
    %add3A_41 = arith.addf %dot_general3A_36, %add3A_40 : vector<10000x128xf32>
    %max3A_42 = arith.constant 0.000000e+00 : f32
    %max3A_43 = vector.broadcast %max3A_42 : f32 to vector<10000x128xf32>
    %max3A_44 = arith.maximumf %add3A_41, %max3A_43 : vector<10000x128xf32>
    %abs3A_45 = math.absf %add3A_41 : vector<10000x128xf32>
    %neg3A_46 = arith.constant 0.000000e+00 : f32
    %neg3A_47 = vector.broadcast %neg3A_46 : f32 to vector<10000x128xf32>
    %neg3A_48 = arith.subf %neg3A_47, %abs3A_45 : vector<10000x128xf32>
    %exp3A_49 = math.exp %neg3A_48 : vector<10000x128xf32>
    %log1p3A_50 = math.log1p %exp3A_49 : vector<10000x128xf32>
    %add3A_51 = arith.addf %max3A_44, %log1p3A_50 : vector<10000x128xf32>
    %get3A_52 = arith.constant 0 : index
    %get3A_53 = arith.constant 0 : index
    %get3A_54 = vector.load %arg7[%get3A_52, %get3A_53] : memref<128x8xf32, #tpu.memory_space<vmem>>, vector<128x8xf32>
    %dot_general3A_55 = arith.constant dense<0.000000e+00> : vector<10000x8xf32>
    %dot_general3A_56 = tpu.matmul %add3A_51, %get3A_54, %dot_general3A_55 {dimension_numbers = #tpu.dot_dimension_numbers<[1], [0], [0], [1], [0, 0, 1, 1], [], []>, transpose_lhs_hint = false} : vector<10000x128xf32>, vector<128x8xf32>, vector<10000x8xf32> -> vector<10000x8xf32>
    %get3A_57 = arith.constant 0 : index
    %get3A_58 = arith.constant 0 : index
    %get3A_59 = vector.load %arg8[%get3A_57, %get3A_58] : memref<1x8xf32, #tpu.memory_space<vmem>>, vector<1x8xf32>
    %add3A_60 = vector.broadcast %get3A_59 : vector<1x8xf32> to vector<10000x8xf32>
    %add3A_61 = arith.addf %dot_general3A_56, %add3A_60 : vector<10000x8xf32>
    %slice3A_62 = vector.extract_strided_slice %add3A_61 {offsets = [0, 0], sizes = [10000, 1], strides = [1, 1]} : vector<10000x8xf32> to vector<10000x1xf32>
    %reduce_min3A = vector.shape_cast %slice3A_62 : vector<10000x1xf32> to vector<1x10000x1xf32>
    %reduce_min3A_63 = arith.constant dense<0x7F800000> : vector<1xf32>
    %reduce_min3A_64 = vector.multi_reduction <minimumf>, %reduce_min3A, %reduce_min3A_63 [1, 2] : vector<1x10000x1xf32> to vector<1xf32>
    %reduce_min3A_65 = vector.shape_cast %reduce_min3A_64 : vector<1xf32> to vector<1x1x1xf32>
    %reduce_min3A_66 = vector.extract %reduce_min3A_65[0, 0, 0] : f32 from vector<1x1x1xf32>
    %sub3A = vector.broadcast %reduce_min3A_66 : f32 to vector<10000x1xf32>
    %sub3A_67 = arith.subf %slice3A_62, %sub3A : vector<10000x1xf32>
    %swap3A = arith.constant 0 : index
    %swap3A_68 = arith.constant 0 : index
    %swap3A_69 = vector.load %arg9[%swap3A, %swap3A_68] : memref<10000x1xf32, #tpu.memory_space<vmem>>, vector<10000x1xf32>
    tpu.vector_store %arg9[%swap3A, %swap3A_68], %sub3A_67 {strides = array<i32>} : memref<10000x1xf32, #tpu.memory_space<vmem>>, vector<10000x1xf32>,
    return
  }
}

</mosaic_0001>

<sc_bundles>
// kernel: kernel.6.cloned.1.call-start
scs
__scs_entry_jumppad:
0x0: {  	(pc) =	sbr.rel $0x88, $3  }
0x1: {  	(tag) =	ssettag $0x0;
	lr =	simm.s32 $0x1  }
0x2: {  	[smem:$0x3F95] =	sst lr;
	_ =	strace $0xD0000000  }
0x3: {  	_ = 	snop  }
0x4: {  	_ = 	snop  }
0x5: {  	_ = 	snop  }
0x6: {  	_ = 	snop  }
0x7: {  	_ = 	snop  }
__scs_overlays_trampoline_lowered:
0x8: {  	[smem:$0x3FA4] =	sst s0  }
0x9: {  	[smem:$0x3FA5] =	sst s1  }
0xa: {  	[smem:$0x3FA6] =	sst s2  }
0xb: {  	[smem:$0x3FA7] =	sst s3  }
0xc: {  	[smem:$0x3FA8] =	sst s4  }
0xd: {  	[smem:$0x3FA9] =	sst s5  }
0xe: {  	[smem:$0x3FAA] =	sst s6  }
0xf: {  	[smem:$0x3FAB] =	sst s7  }
0x10: {  	[smem:$0x3FAC] =	sst s8  }
0x11: {  	[smem:$0x3FAD] =	sst s9;
	s0 =	simm.s32 @!p0 $0x0  }
0x12: {  	s1 =	sld [smem:$0x3F93];
	s0 =	simm.s32 @p0 $0x1  }
0x13: {  	[smem:$0x3FAE] =	sst s0;
	s0 =	simm.s32 @!p1 $0x0  }
0x14: {  	s2 =	sld [smem:$0x3F92];
	s0 =	simm.s32 @p1 $0x1  }
0x15: {  	[smem:$0x3FAF] =	sst s0;
	s0 =	simm.s32 @!p2 $0x0  }
0x16: {  	s3 =	sld [smem:$0x3FDB];
	s0 =	simm.s32 @p2 $0x1  }
0x17: {  	s4 =	simm.s32 $0x1BF5;
	[smem:$0x3FB1] =	sst s0  }
0x18: {  	s0 =	sld [smem:$0x3F94];
	_ =	swait.ge [sflag:s4], $0x0  }
0x19: {  	s7 =	sld [smem:$0x3F95]  }
0x1a: {  	s8 =	sadd.s32 $0xFFFFE003, lr  }
0x1b: {  	s9 =	sadd.s32 $0xFFFFFEF7, lr;
	s5 =	simm.s32 $0xFFFFFFFF;
	p2 =	slt.u32 s8, $0xFFFFF086  }
0x1c: {  	p1 =	slt.u32 s9, $0xF7A;
	s5 =	simm.s32 @!p2 $0x0  }
0x1d: {  	s5 =	simm.s32 @p1 $0x1;
	p0 =	seq.s32 s7, s2  }
0x1e: {  	s7 =	smul.u32 @!p0 $0xF7A, s2;
	p2 =	seq.s32 @!p0 s5, $0x0  }
0x1f: {  	s9 =	smul.u32 $0xF7A, s1;
	s8 =	simm.s32 @!p0 $0x1BF5;
	p2 =	por !p2, p0  }
0x20: {  	[sflag:s8] =	ssyncset.s32 @!p0 $0xFFFFF086;
	s6 =	sadd.s32 @!p0 s3, s7;
	s7 =	simm.s32 @!p0 $0x108  }
0x21: {  	s3 =	sadd.s32 s3, s9;
	s6 =	sadd.s32 @!p0 $0x88, s6;
	s7 =	simm.s32 @p2 $0x1082  }
0x22: {  	[simem:s7], [sflag:s8] =	dma.local @!p0 [hbm:s6], $0xF7A  }
0x23: {  	s9 =	sor.u32 $0xD0000000, s2;
	s6 =	simm.s32 $0x108;
	_ =	swait.ge @!p0 [sflag:s8], $0x0  }
0x24: {  	s3 =	sadd.s32 $0x88, s3;
	s6 =	simm.s32 @!p1 $0x1082;
	[sflag:s4] =	ssyncset.s32 $0xFFFFF086  }
0x25: {  	[simem:s6], [sflag:s4] =	dma.local [hbm:s3], $0xF7A  }
0x26: {  	[smem:$0x3F95] =	sst s1;
	(tag) =	ssettag s2;
	_ =	strace s9  }
0x27: {  	s1 =	sld [smem:$0x3FA5]  }
0x28: {  	s2 =	sld [smem:$0x3FA6]  }
0x29: {  	s4 =	sld [smem:$0x3FA8]  }
0x2a: {  	p0 =	seq.s32 s5, $0x0;
	s5 =	sld [smem:$0x3FA9]  }
0x2b: {  	s6 =	sld [smem:$0x3FAA]  }
0x2c: {  	s7 =	sld [smem:$0x3FAB]  }
0x2d: {  	s3 =	simm.s32 $0x108;
	s8 =	sld [smem:$0x3FAC]  }
0x2e: {  	s3 =	simm.s32 @!p0 $0x1082;
	s9 =	sld [smem:$0x3FAD]  }
0x2f: {  	lr =	sadd.s32 s0, s3;
	s0 =	sld [smem:$0x3FA4]  }
0x30: {  	s3 =	sld [smem:$0x3FA7]  }
0x31: {  	[smem:$0x3FB0] =	sst s10  }
0x32: {  	s10 =	sld [smem:$0x3FAE];
	_ =	sdelay $0x3  }
0x33: {  	p0 =	seq.s32 s10, $0x1;
	s10 =	sld [smem:$0x3FB0];
	_ =	sdelay $0x3  }
0x34: {  	[smem:$0x3FB0] =	sst s10  }
0x35: {  	s10 =	sld [smem:$0x3FAF];
	_ =	sdelay $0x3  }
0x36: {  	p1 =	seq.s32 s10, $0x1;
	s10 =	sld [smem:$0x3FB0];
	_ =	sdelay $0x3  }
0x37: {  	[smem:$0x3FB0] =	sst s10  }
0x38: {  	s10 =	sld [smem:$0x3FB1]  }
0x39: {  	_ = 	snop;
	(pc) =	sbr.ind lr, $3  }
0x3a: {  	_ = 	snop  }
0x3b: {  	_ = 	snop  }
0x3c: {  	p2 =	seq.s32 s10, $0x1;
	s10 =	sld [smem:$0x3FB0]  }
0x3d: {  	_ =	shalt  }
0x3e: {  	_ =	shalt  }
0x3f: {  	_ =	shalt  }
0x40: {  	_ =	shalt  }
0x41: {  	_ =	shalt  }
0x42: {  	_ =	shalt  }
0x43: {  	_ =	shalt  }
0x44: {  	_ =	shalt  }
0x45: {  	_ =	shalt  }
0x46: {  	_ =	shalt  }
0x47: {  	_ =	shalt  }
0x48: {  	_ =	shalt  }
0x49: {  	_ =	shalt  }
0x4a: {  	_ =	shalt  }
0x4b: {  	_ =	shalt  }
0x4c: {  	_ =	shalt  }
0x4d: {  	_ =	shalt  }
0x4e: {  	_ =	shalt  }
0x4f: {  	_ =	shalt  }
0x50: {  	_ =	shalt  }
0x51: {  	_ =	shalt  }
0x52: {  	_ =	shalt  }
0x53: {  	_ =	shalt  }
0x54: {  	_ =	shalt  }
0x55: {  	_ =	shalt  }
0x56: {  	_ =	shalt  }
0x57: {  	_ =	shalt  }
0x58: {  	_ =	shalt  }
0x59: {  	_ =	shalt  }
0x5a: {  	_ =	shalt  }
0x5b: {  	_ =	shalt  }
0x5c: {  	_ =	shalt  }
0x5d: {  	_ =	shalt  }
0x5e: {  	_ =	shalt  }
0x5f: {  	_ =	shalt  }
0x60: {  	_ =	shalt  }
0x61: {  	_ =	shalt  }
0x62: {  	_ =	shalt  }
0x63: {  	_ =	shalt  }
0x64: {  	_ =	shalt  }
0x65: {  	_ =	shalt  }
0x66: {  	_ =	shalt  }
0x67: {  	_ =	shalt  }
0x68: {  	_ =	shalt  }
0x69: {  	_ =	shalt  }
0x6a: {  	_ =	shalt  }
0x6b: {  	_ =	shalt  }
0x6c: {  	_ =	shalt  }
0x6d: {  	_ =	shalt  }
0x6e: {  	_ =	shalt  }
0x6f: {  	_ =	shalt  }
0x70: {  	_ =	shalt  }
0x71: {  	_ =	shalt  }
0x72: {  	_ =	shalt  }
0x73: {  	_ =	shalt  }
0x74: {  	_ =	shalt  }
0x75: {  	_ =	shalt  }
0x76: {  	_ =	shalt  }
0x77: {  	_ =	shalt  }
0x78: {  	_ =	shalt  }
0x79: {  	_ =	shalt  }
0x7a: {  	_ =	shalt  }
0x7b: {  	_ =	shalt  }
0x7c: {  	_ =	shalt  }
0x7d: {  	_ =	shalt  }
0x7e: {  	_ =	shalt  }
0x7f: {  	_ =	shalt  }
0x80: {  	_ =	shalt  }
0x81: {  	_ =	shalt  }
0x82: {  	_ =	shalt  }
0x83: {  	_ =	shalt  }
0x84: {  	_ =	shalt  }
0x85: {  	_ =	shalt  }
0x86: {  	_ =	shalt  }
0x87: {  	_ =	shalt  }
.Lfunc_end0:
.L_simem_size_0:
called_computation_lowered:
.L_overlay_start_0:
0x88: {  	s2 =	sld [smem:$0x3FD9]  }
0x89: {  	s3 =	sld [smem:$0x3FFE];
	_ =	sdelay $0x1  }
0x8a: {  	s1 =	srdreg.scid  }
0x8b: {  	s0 =	sand.u32 $0x1, s1  }
0x8c: {  	s16 =	sshll.u32 s0, $0xA;
	s2 =	sadd.s32 s3, s2  }
0x8d: {  	s2 =	sadd.s32 s2, s16  }
0x8e: {  	[smem:$0x3FBC] =	sst s2  }
0x8f: {  	_ = 	snop  }
0x90: {  	(tm) =	ssettm $0x1  }
0x91: {  	s17 =	sld [smem:$0x3FFB];
	_ =	sdelay $0x3  }
0x92: {  	_ =	strace s17  }
0x93: {  	s2 =	sld [smem:$0x3FFC];
	_ =	sdelay $0x3  }
0x94: {  	_ =	strace s2  }
0x95: {  	s2 =	sld [smem:$0x3FFD];
	_ =	sdelay $0x3  }
0x96: {  	_ =	strace s2  }
0x97: {  	_ =	strace $0x8FFFFFFF  }
0x98: {  	s18 =	sld [smem:$0x3FDB];
	_ =	sdelay $0x1  }
0x99: {  	s19 =	simm.s32 $_scs_section_size  }
0x9a: {  	s4 =	simm.s32 $_size__tile_overlayer_lowered;
	s5 =	simm.s32 $_tile_overlayer_lowered  }
0x9b: {  	s22 =	simm.s32 $0x1BFF;
	s21 =	sshll.u32 s5, $0x1;
	s2 =	sadd.s32 s19, s18  }
0x9c: {  	s6 =	simm.s32 $0x0;
	s20 =	sshll.u32 s4, $0x1;
	s4 =	sadd.s32 s21, s2  }
0x9d: {  	[timem:s6], [sflag:s22] =	dma.local [hbm:s4], s20  }
0x9e: {  	_ =	swait.ge [sflag:s22], s20  }
0x9f: {  	s3 =	ssub.s32 $0x0, s20;
	[sflag:s22] =	ssyncset.done $0x0  }
0xa0: {  	[sflag:s22] =	ssyncadd.s32 s3;
	_ =	sdelay $0x1  }
0xa1: {  	s23 =	simm.s32 $0x1B8B  }
0xa2: {  	_ =	swait.ge [sflag:s23], $0x1  }
0xa3: {  	[sflag:s23] =	ssyncset.done $0x0  }
0xa4: {  	s25 =	simm.s32 $0x1B8E;
	s24 =	sld [smem:$0x3FFE];
	[sflag:s23] =	ssyncadd.s32 $0xFFFFFFFF  }
0xa5: {  	s26 =	simm.s32 $execute0_lowered;
	[smem:$0x3FD2] =	sst s25  }
0xa6: {  	s4 =	sshll.u32 s26, $0x1;
	_ =	strace $0x80000046;
	[dreg:$0x1] =	wrdreg $0xFFFFFFFF  }
0xa7: {  	s28 =	simm.s32 $_size_execute0_lowered;
	s2 =	sadd.s32 s2, s4;
	[dreg:$0x0] =	wrdreg $0x0  }
0xa8: {  	s4 =	sshll.u32 s28, $0x1;
	[dreg:$0x2] =	wrdreg s2  }
0xa9: {  	[dreg:$0x3] =	wrdreg s4  }
0xaa: {  	[dreg:$0x4] =	wrdreg $0xC0  }
0xab: {  	_ =	task [dreg:s6], $0x5FFFF  }
0xac: {  	[dreg:$0x1] =	wrdreg $0xFFFFFFFF  }
0xad: {  	[dreg:$0x0] =	wrdreg $0x60  }
0xae: {  	[dreg:$0x2] =	wrdreg s24  }
0xaf: {  	[dreg:$0x3] =	wrdreg $0x80C00  }
0xb0: {  	[dreg:$0x4] =	wrdreg $0x9  }
0xb1: {  	_ =	task.clear_ibuf [dreg:s6], $0x5FFFF;
	_ =	strace $0x90000046  }
0xb2: {  	s29 =	simm.s32 $0x9;
	_ =	strace $0x80000048  }
0xb3: {  	_ =	swait.ge [sflag:s29], $0x1  }
0xb4: {  	[sflag:s29] =	ssyncadd.s32 $0xFFFFFFFF  }
0xb5: {  	_ =	strace $0x90000048  }
0xb6: {  	_ =	sfence  }
0xb7: {  	s30 =	sld [smem:$0x0];
	_ =	sdelay $0x2  }
0xb8: {  	s31 =	sshll.u32 s1, $0xD;
	s1 =	sshrl.u32 s1, $0x2  }
0xb9: {  	s3 =	sand.u32 $0x4000, s31;
	s1 =	sadd.s32 s1, s30  }
0xba: {  	s0 =	sor.u32 s3, s0;
	s1 =	sshll.u32 s1, $0x11  }
0xbb: {  	s0 =	sor.u32 s1, s0  }
0xbc: {  	s0 =	sadd.s32 $0x8F2B, s0  }
0xbd: {  	[sflag:s0] =	ssyncadd.remote.s32 $0x1  }
0xbe: {  	_ =	sfence.sel $0xFFFF  }
0xbf: {  	[dreg:$0x0] =	wrdreg $0xFFFFFFFF;
	(pc) =	sbr.abs _section_cstart, $3  }
0xc0: {  	[dreg:$0x1] =	wrdreg $0xFFFFFFFF  }
0xc1: {  	_ =	task.clear_ibuf [dreg:s6], $0x2FFFF;
	_ =	strace $0x9FFFFFFF  }
0xc2: {  	(tm) =	ssettm $0x7FFFFFFF  }
0xc3: {  	_ =	shalt  }
tec
execute0_lowered:
.L_overlay_start_1:
0x0: {  	(tag) =	ssettag $0x1  }
0x1: {  	s10 =	stileid.u32;
	s5 =	rddreg [dreg:$0x0]  }
0x2: {  	s0 =	srdreg.scid;
	s2 =	rddreg [dreg:$0x1]  }
0x3: {  	s3 =	simm.s32 $0x0;
	s21 =	simm.s32 $0x68;
	s23 =	simm.s32 $0xD0  }
0x4: {  	s24 =	simm.s32 $0x888;
	s25 =	simm.s32 $0x138;
	[smem:$0x7FF] =	sst s3  }
0x5: {  	s26 =	simm.s32 $0x8F0;
	_ =	strace $0x80000047;
	[dreg:$0x5] =	wrdreg s21  }
0x6: {  	s12 =	simm.s32 $0x208;
	s13 =	simm.s32 $0x9C0;
	[dreg:$0x6] =	wrdreg s23  }
0x7: {  	s14 =	simm.s32 $0x270;
	s15 =	simm.s32 $0xA28;
	[dreg:$0x7] =	wrdreg s24  }
0x8: {  	s17 =	simm.s32 $0x2D8;
	s18 =	simm.s32 $0xA90;
	[dreg:$0x8] =	wrdreg s25  }
0x9: {  	s19 =	simm.s32 $0x340;
	s28 =	simm.s32 $0x6E8;
	[dreg:$0x9] =	wrdreg s26  }
0xa: {  	s29 =	simm.s32 $0xEA0;
	s30 =	simm.s32 $0x750;
	[dreg:$0xc] =	wrdreg s12  }
0xb: {  	s31 =	simm.s32 $0xF08;
	s1 =	smul.u32 $0x5140, s10;
	[dreg:$0xd] =	wrdreg s13  }
0xc: {  	s0 =	sand.u32 $0x1, s0;
	s7 =	smul.u32 $0x16800, s10;
	[dreg:$0xe] =	wrdreg s14  }
0xd: {  	s6 =	sadd.s32 $0x2200, s5;
	s22 =	smul.u32 $0x2D00, s10;
	[dreg:$0xf] =	wrdreg s15  }
0xe: {  	s16 =	sshll.u32 s10, $0x6;
	s4 =	smul.u32 $0x28A0, s0;
	[dreg:$0x10] =	wrdreg s17  }
0xf: {  	s10 =	simm.s32 $0x3;
	s9 =	smul.u32 $0x2D000, s0;
	[dreg:$0x11] =	wrdreg s18  }
0x10: {  	s0 =	ssub.s32 $0x2, s0;
	[dreg:$0x12] =	wrdreg s19;
	s21 =	simm.s32 $0x3A8  }
0x11: {  	s23 =	simm.s32 $0x410;
	s12 =	simm.s32 $0x64;
	s24 =	simm.s32 $0xBC8  }
0x12: {  	s13 =	simm.s32 $0x1040;
	s25 =	simm.s32 $0x478;
	s14 =	simm.s32 $0x4880  }
0x13: {  	s26 =	simm.s32 $0xC30;
	s15 =	simm.s32 $0x1;
	[dreg:$0x14] =	wrdreg s21  }
0x14: {  	s17 =	simm.s32 $0x4E0;
	s18 =	simm.s32 $0xC98;
	[dreg:$0x16] =	wrdreg s23  }
0x15: {  	s19 =	simm.s32 $0x548;
	s20 =	sshrl.u32 s7, $0x3;
	[dreg:$0x17] =	wrdreg s24  }
0x16: {  	s11 =	sshrl.u32 s0, $0x1;
	s7 =	sadd.s32 s7, s2;
	[dreg:$0x18] =	wrdreg s25  }
0x17: {  	[dreg:$0x19] =	wrdreg s26;
	s21 =	simm.s32 $0x5B0;
	s23 =	simm.s32 $0x618  }
0x18: {  	s24 =	simm.s32 $0xDD0;
	s25 =	simm.s32 $0x680;
	s26 =	simm.s32 $0xE38  }
0x19: {  	s1 =	sadd.s32 s4, s1;
	s0 =	ssub.s32 s0, s11;
	s7 =	sshrl.u32 s7, $0x3  }
0x1a: {  	s11 =	simm.s32 $0x820;
	s4 =	sadd.s32 $0x51400, s1;
	s1 =	sshrl.u32 s1, $0x3  }
0x1b: {  	s0 =	smax.u32 s0, $0x1;
	[dreg:$0x1e] =	wrdreg s7;
	s4 =	sshrl.u32 s4, $0x3  }
0x1c: {  	s1 =	sadd.s32 s1, s6;
	[dreg:$0x1d] =	wrdreg s0;
	s0 =	simm.s32 $0xF70  }
0x1d: {  	s8 =	sadd.s32 s4, s6;
	s4 =	sadd.s32 $0x16800, s5;
	[dreg:$0x4] =	wrdreg s1  }
0x1e: {  	s6 =	sadd.s32 s20, s5;
	s20 =	simm.s32 $0xAF8;
	[dreg:$0x3] =	wrdreg s8  }
0x1f: {  	s8 =	sadd.s32 s22, s9;
	s9 =	simm.s32 $0x958;
	[dreg:$0x13] =	wrdreg s20  }
0x20: {  	s1 =	simm.s32 $0x7B8;
	s6 =	sadd.s32 $0x42800, s6;
	[dreg:$0xb] =	wrdreg s9  }
0x21: {  	s22 =	simm.s32 $0xB60;
	s20 =	simm.s32 $0xD00;
	[dreg:$0x1a] =	wrdreg s6  }
0x22: {  	s5 =	sadd.s32 s8, s5;
	s8 =	simm.s32 $0x1A0;
	[dreg:$0x15] =	wrdreg s22  }
0x23: {  	s22 =	simm.s32 $0xD68;
	[dreg:$0xa] =	wrdreg s8;
	s5 =	sadd.s32 $0x6F800, s5  }
0x24: {  	s9 =	simm.s32 $0x0;
	s8 =	sor.u32 $0x1C03, s16;
	[dreg:$0x1c] =	wrdreg s5  }
0x25: {  	s16 =	simm.s32 $0x2;
	s5 =	simm.s32 $0xFD8;
	[dreg:$0x1b] =	wrdreg s8  }
.LBB2_1:
0x26: {  	[dreg:$0x1f] =	wrdreg s9  }
0x27: {  	s6 =	rddreg [dreg:$0x1a]  }
0x28: {  	[spmem:s7], [sflag:s8] =	dma.local [hbm:s6], $0x2D00  }
0x29: {  	_ =	swait.ge [sflag:s10], $0x2D00  }
0x2a: {  	[sflag:s10] =	ssyncset.done $0x0  }
0x2b: {  	[sflag:s10] =	ssyncadd.s32 $0xFFFFD300  }
0x2c: {  	[bflag:$0x0] =	sbarrier.arrive $0xFFFF  }
0x2d: {  	s8 =	rddreg [dreg:$0x4]  }
0x2e: {  	s6 =	sadd.s32 $0x0, s8  }
0x2f: {  	[tilespmem:s3], [sflag:$0x3] =	stream.linear.gather [hbm4b:s6+s3], $0x820, $0x38;
	[tilespmem:$0x1E8C0] =	vst v63  }
0x30: {  	_ =	swait.ge [sflag:s10], $0x820  }
0x31: {  	s9 =	rddreg [dreg:$0x3];
	[sflag:s10] =	ssyncset.done $0x0  }
0x32: {  	[sflag:s10] =	ssyncadd.s32 $0xFFFFF7E0;
	s6 =	sadd.s32 $0x0, s9  }
0x33: {  	[tilespmem:s11], [sflag:$0x3] =	stream.linear.gather [hbm4b:s6+s3], $0x820, $0x38;
	[tilespmem:$0x1E8C0] =	vst v63  }
0x34: {  	_ =	swait.ge [sflag:s10], $0x820  }
0x35: {  	[sflag:s10] =	ssyncset.done $0x0  }
0x36: {  	[sflag:s10] =	ssyncadd.s32 $0xFFFFF7E0  }
0x37: {  	[tilespmem:s13], [sflag:$0x1] =	stream.indirect.gather [hbm4b:s4+s12], $0x90, s3, s12, $0xb8;
	[tilespmem:$0x1E8C0] =	vst v63  }
0x38: {  	s7 =	rddreg [dreg:$0x5]  }
0x39: {  	[tilespmem:s14], [sflag:$0x2] =	stream.indirect.gather [hbm4b:s4+s12], $0x90, s7, s12, $0xb8;
	[tilespmem:$0x1E8C0] =	vst v63  }
0x3a: {  	_ =	swait.ge [sflag:s15], $0x3840  }
0x3b: {  	[sflag:s15] =	ssyncset.done $0x0  }
0x3c: {  	[sflag:s15] =	ssyncadd.s32 $0xFFFFC7C0  }
0x3d: {  	[spmem:s2] =	stream.indirect.scatter.add.f32 [tilespmem:s13], [sflag:$0x3], $0x90, s11, s12, $0xb8;
	[tilespmem:$0x1E8C0] =	vst v63  }
0x3e: {  	_ =	swait.ge [sflag:s10], $0x3840  }
0x3f: {  	[sflag:s10] =	ssyncset.done $0x0  }
0x40: {  	s8 =	rddreg [dreg:$0x6];
	[sflag:s10] =	ssyncadd.s32 $0xFFFFC7C0  }
0x41: {  	[tilespmem:s13], [sflag:$0x1] =	stream.indirect.gather [hbm4b:s4+s12], $0x90, s8, s12, $0xb8;
	[tilespmem:$0x1E8C0] =	vst v63  }
0x42: {  	_ =	swait.ge [sflag:s16], $0x3840  }
0x43: {  	[sflag:s16] =	ssyncset.done $0x0  }
0x44: {  	s9 =	rddreg [dreg:$0x7];
	[sflag:s16] =	ssyncadd.s32 $0xFFFFC7C0  }
0x45: {  	[spmem:s2] =	stream.indirect.scatter.add.f32 [tilespmem:s14], [sflag:$0x3], $0x90, s9, s12, $0xb8;
	[tilespmem:$0x1E8C0] =	vst v63  }
0x46: {  	_ =	swait.ge [sflag:s10], $0x3840  }
0x47: {  	[sflag:s10] =	ssyncset.done $0x0  }
0x48: {  	s7 =	rddreg [dreg:$0x8];
	[sflag:s10] =	ssyncadd.s32 $0xFFFFC7C0  }
0x49: {  	[tilespmem:s14], [sflag:$0x2] =	stream.indirect.gather [hbm4b:s4+s12], $0x90, s7, s12, $0xb8;
	[tilespmem:$0x1E8C0] =	vst v63  }
0x4a: {  	_ =	swait.ge [sflag:s15], $0x3840  }
0x4b: {  	[sflag:s15] =	ssyncset.done $0x0  }
0x4c: {  	s8 =	rddreg [dreg:$0x9];
	[sflag:s15] =	ssyncadd.s32 $0xFFFFC7C0  }
0x4d: {  	[spmem:s2] =	stream.indirect.scatter.add.f32 [tilespmem:s13], [sflag:$0x3], $0x90, s8, s12, $0xb8;
	[tilespmem:$0x1E8C0] =	vst v63  }
0x4e: {  	_ =	swait.ge [sflag:s10], $0x3840  }
0x4f: {  	[sflag:s10] =	ssyncset.done $0x0  }
0x50: {  	s9 =	rddreg [dreg:$0xa];
	[sflag:s10] =	ssyncadd.s32 $0xFFFFC7C0  }
0x51: {  	[tilespmem:s13], [sflag:$0x1] =	stream.indirect.gather [hbm4b:s4+s12], $0x90, s9, s12, $0xb8;
	[tilespmem:$0x1E8C0] =	vst v63  }
0x52: {  	_ =	swait.ge [sflag:s16], $0x3840  }
0x53: {  	[sflag:s16] =	ssyncset.done $0x0  }
0x54: {  	s7 =	rddreg [dreg:$0xb];
	[sflag:s16] =	ssyncadd.s32 $0xFFFFC7C0  }
0x55: {  	[spmem:s2] =	stream.indirect.scatter.add.f32 [tilespmem:s14], [sflag:$0x3], $0x90, s7, s12, $0xb8;
	[tilespmem:$0x1E8C0] =	vst v63  }
0x56: {  	_ =	swait.ge [sflag:s10], $0x3840  }
0x57: {  	[sflag:s10] =	ssyncset.done $0x0  }
0x58: {  	s8 =	rddreg [dreg:$0xc];
	[sflag:s10] =	ssyncadd.s32 $0xFFFFC7C0  }
0x59: {  	[tilespmem:s14], [sflag:$0x2] =	stream.indirect.gather [hbm4b:s4+s12], $0x90, s8, s12, $0xb8;
	[tilespmem:$0x1E8C0] =	vst v63  }
0x5a: {  	_ =	swait.ge [sflag:s15], $0x3840  }
0x5b: {  	[sflag:s15] =	ssyncset.done $0x0  }
0x5c: {  	s9 =	rddreg [dreg:$0xd];
	[sflag:s15] =	ssyncadd.s32 $0xFFFFC7C0  }
0x5d: {  	[spmem:s2] =	stream.indirect.scatter.add.f32 [tilespmem:s13], [sflag:$0x3], $0x90, s9, s12, $0xb8;
	[tilespmem:$0x1E8C0] =	vst v63  }
0x5e: {  	_ =	swait.ge [sflag:s10], $0x3840  }
0x5f: {  	[sflag:s10] =	ssyncset.done $0x0  }
0x60: {  	s7 =	rddreg [dreg:$0xe];
	[sflag:s10] =	ssyncadd.s32 $0xFFFFC7C0  }
0x61: {  	[tilespmem:s13], [sflag:$0x1] =	stream.indirect.gather [hbm4b:s4+s12], $0x90, s7, s12, $0xb8;
	[tilespmem:$0x1E8C0] =	vst v63  }
0x62: {  	_ =	swait.ge [sflag:s16], $0x3840  }
0x63: {  	[sflag:s16] =	ssyncset.done $0x0  }
0x64: {  	s8 =	rddreg [dreg:$0xf];
	[sflag:s16] =	ssyncadd.s32 $0xFFFFC7C0  }
0x65: {  	[spmem:s2] =	stream.indirect.scatter.add.f32 [tilespmem:s14], [sflag:$0x3], $0x90, s8, s12, $0xb8;
	[tilespmem:$0x1E8C0] =	vst v63  }
0x66: {  	_ =	swait.ge [sflag:s10], $0x3840  }
0x67: {  	[sflag:s10] =	ssyncset.done $0x0  }
0x68: {  	s9 =	rddreg [dreg:$0x10];
	[sflag:s10] =	ssyncadd.s32 $0xFFFFC7C0  }
0x69: {  	[tilespmem:s14], [sflag:$0x2] =	stream.indirect.gather [hbm4b:s4+s12], $0x90, s9, s12, $0xb8;
	[tilespmem:$0x1E8C0] =	vst v63  }
0x6a: {  	_ =	swait.ge [sflag:s15], $0x3840  }
0x6b: {  	[sflag:s15] =	ssyncset.done $0x0  }
0x6c: {  	s7 =	rddreg [dreg:$0x11];
	[sflag:s15] =	ssyncadd.s32 $0xFFFFC7C0  }
0x6d: {  	[spmem:s2] =	stream.indirect.scatter.add.f32 [tilespmem:s13], [sflag:$0x3], $0x90, s7, s12, $0xb8;
	[tilespmem:$0x1E8C0] =	vst v63  }
0x6e: {  	_ =	swait.ge [sflag:s10], $0x3840  }
0x6f: {  	[sflag:s10] =	ssyncset.done $0x0  }
0x70: {  	s8 =	rddreg [dreg:$0x12];
	[sflag:s10] =	ssyncadd.s32 $0xFFFFC7C0  }
0x71: {  	[tilespmem:s13], [sflag:$0x1] =	stream.indirect.gather [hbm4b:s4+s12], $0x90, s8, s12, $0xb8;
	[tilespmem:$0x1E8C0] =	vst v63  }
0x72: {  	_ =	swait.ge [sflag:s16], $0x3840  }
0x73: {  	[sflag:s16] =	ssyncset.done $0x0  }
0x74: {  	s9 =	rddreg [dreg:$0x13];
	[sflag:s16] =	ssyncadd.s32 $0xFFFFC7C0  }
0x75: {  	[spmem:s2] =	stream.indirect.scatter.add.f32 [tilespmem:s14], [sflag:$0x3], $0x90, s9, s12, $0xb8;
	[tilespmem:$0x1E8C0] =	vst v63  }
0x76: {  	_ =	swait.ge [sflag:s10], $0x3840  }
0x77: {  	[sflag:s10] =	ssyncset.done $0x0  }
0x78: {  	s7 =	rddreg [dreg:$0x14];
	[sflag:s10] =	ssyncadd.s32 $0xFFFFC7C0  }
0x79: {  	[tilespmem:s14], [sflag:$0x2] =	stream.indirect.gather [hbm4b:s4+s12], $0x90, s7, s12, $0xb8;
	[tilespmem:$0x1E8C0] =	vst v63  }
0x7a: {  	_ =	swait.ge [sflag:s15], $0x3840  }
0x7b: {  	[sflag:s15] =	ssyncset.done $0x0  }
0x7c: {  	s8 =	rddreg [dreg:$0x15];
	[sflag:s15] =	ssyncadd.s32 $0xFFFFC7C0  }
0x7d: {  	[spmem:s2] =	stream.indirect.scatter.add.f32 [tilespmem:s13], [sflag:$0x3], $0x90, s8, s12, $0xb8;
	[tilespmem:$0x1E8C0] =	vst v63  }
0x7e: {  	_ =	swait.ge [sflag:s10], $0x3840  }
0x7f: {  	[sflag:s10] =	ssyncset.done $0x0  }
0x80: {  	s9 =	rddreg [dreg:$0x16];
	[sflag:s10] =	ssyncadd.s32 $0xFFFFC7C0  }
0x81: {  	[tilespmem:s13], [sflag:$0x1] =	stream.indirect.gather [hbm4b:s4+s12], $0x90, s9, s12, $0xb8;
	[tilespmem:$0x1E8C0] =	vst v63  }
0x82: {  	_ =	swait.ge [sflag:s16], $0x3840  }
0x83: {  	[sflag:s16] =	ssyncset.done $0x0  }
0x84: {  	s7 =	rddreg [dreg:$0x17];
	[sflag:s16] =	ssyncadd.s32 $0xFFFFC7C0  }
0x85: {  	[spmem:s2] =	stream.indirect.scatter.add.f32 [tilespmem:s14], [sflag:$0x3], $0x90, s7, s12, $0xb8;
	[tilespmem:$0x1E8C0] =	vst v63  }
0x86: {  	_ =	swait.ge [sflag:s10], $0x3840  }
0x87: {  	[sflag:s10] =	ssyncset.done $0x0  }
0x88: {  	s8 =	rddreg [dreg:$0x18];
	[sflag:s10] =	ssyncadd.s32 $0xFFFFC7C0  }
0x89: {  	[tilespmem:s14], [sflag:$0x2] =	stream.indirect.gather [hbm4b:s4+s12], $0x90, s8, s12, $0xb8;
	[tilespmem:$0x1E8C0] =	vst v63  }
0x8a: {  	_ =	swait.ge [sflag:s15], $0x3840  }
0x8b: {  	[sflag:s15] =	ssyncset.done $0x0  }
0x8c: {  	s9 =	rddreg [dreg:$0x19];
	[sflag:s15] =	ssyncadd.s32 $0xFFFFC7C0  }
0x8d: {  	[spmem:s2] =	stream.indirect.scatter.add.f32 [tilespmem:s13], [sflag:$0x3], $0x90, s9, s12, $0xb8;
	[tilespmem:$0x1E8C0] =	vst v63  }
0x8e: {  	_ =	swait.ge [sflag:s10], $0x3840  }
0x8f: {  	[sflag:s10] =	ssyncset.done $0x0  }
0x90: {  	[sflag:s10] =	ssyncadd.s32 $0xFFFFC7C0  }
0x91: {  	[tilespmem:s13], [sflag:$0x1] =	stream.indirect.gather [hbm4b:s4+s12], $0x90, s17, s12, $0xb8;
	[tilespmem:$0x1E8C0] =	vst v63  }
0x92: {  	_ =	swait.ge [sflag:s16], $0x3840  }
0x93: {  	[sflag:s16] =	ssyncset.done $0x0  }
0x94: {  	[sflag:s16] =	ssyncadd.s32 $0xFFFFC7C0  }
0x95: {  	[spmem:s2] =	stream.indirect.scatter.add.f32 [tilespmem:s14], [sflag:$0x3], $0x90, s18, s12, $0xb8;
	[tilespmem:$0x1E8C0] =	vst v63  }
0x96: {  	_ =	swait.ge [sflag:s10], $0x3840  }
0x97: {  	[sflag:s10] =	ssyncset.done $0x0  }
0x98: {  	[sflag:s10] =	ssyncadd.s32 $0xFFFFC7C0  }
0x99: {  	[tilespmem:s14], [sflag:$0x2] =	stream.indirect.gather [hbm4b:s4+s12], $0x90, s19, s12, $0xb8;
	[tilespmem:$0x1E8C0] =	vst v63  }
0x9a: {  	_ =	swait.ge [sflag:s15], $0x3840  }
0x9b: {  	[sflag:s15] =	ssyncset.done $0x0  }
0x9c: {  	[sflag:s15] =	ssyncadd.s32 $0xFFFFC7C0  }
0x9d: {  	[spmem:s2] =	stream.indirect.scatter.add.f32 [tilespmem:s13], [sflag:$0x3], $0x90, s20, s12, $0xb8;
	[tilespmem:$0x1E8C0] =	vst v63  }
0x9e: {  	_ =	swait.ge [sflag:s10], $0x3840  }
0x9f: {  	[sflag:s10] =	ssyncset.done $0x0  }
0xa0: {  	[sflag:s10] =	ssyncadd.s32 $0xFFFFC7C0  }
0xa1: {  	[tilespmem:s13], [sflag:$0x1] =	stream.indirect.gather [hbm4b:s4+s12], $0x90, s21, s12, $0xb8;
	[tilespmem:$0x1E8C0] =	vst v63  }
0xa2: {  	_ =	swait.ge [sflag:s16], $0x3840  }
0xa3: {  	[sflag:s16] =	ssyncset.done $0x0  }
0xa4: {  	[sflag:s16] =	ssyncadd.s32 $0xFFFFC7C0  }
0xa5: {  	[spmem:s2] =	stream.indirect.scatter.add.f32 [tilespmem:s14], [sflag:$0x3], $0x90, s22, s12, $0xb8;
	[tilespmem:$0x1E8C0] =	vst v63  }
0xa6: {  	_ =	swait.ge [sflag:s10], $0x3840  }
0xa7: {  	[sflag:s10] =	ssyncset.done $0x0  }
0xa8: {  	[sflag:s10] =	ssyncadd.s32 $0xFFFFC7C0  }
0xa9: {  	[tilespmem:s14], [sflag:$0x2] =	stream.indirect.gather [hbm4b:s4+s12], $0x90, s23, s12, $0xb8;
	[tilespmem:$0x1E8C0] =	vst v63  }
0xaa: {  	_ =	swait.ge [sflag:s15], $0x3840  }
0xab: {  	[sflag:s15] =	ssyncset.done $0x0  }
0xac: {  	[sflag:s15] =	ssyncadd.s32 $0xFFFFC7C0  }
0xad: {  	[spmem:s2] =	stream.indirect.scatter.add.f32 [tilespmem:s13], [sflag:$0x3], $0x90, s24, s12, $0xb8;
	[tilespmem:$0x1E8C0] =	vst v63  }
0xae: {  	_ =	swait.ge [sflag:s10], $0x3840  }
0xaf: {  	[sflag:s10] =	ssyncset.done $0x0  }
0xb0: {  	[sflag:s10] =	ssyncadd.s32 $0xFFFFC7C0  }
0xb1: {  	[tilespmem:s13], [sflag:$0x1] =	stream.indirect.gather [hbm4b:s4+s12], $0x90, s25, s12, $0xb8;
	[tilespmem:$0x1E8C0] =	vst v63  }
0xb2: {  	_ =	swait.ge [sflag:s16], $0x3840  }
0xb3: {  	[sflag:s16] =	ssyncset.done $0x0  }
0xb4: {  	[sflag:s16] =	ssyncadd.s32 $0xFFFFC7C0  }
0xb5: {  	[spmem:s2] =	stream.indirect.scatter.add.f32 [tilespmem:s14], [sflag:$0x3], $0x90, s26, s12, $0xb8;
	[tilespmem:$0x1E8C0] =	vst v63  }
0xb6: {  	_ =	swait.ge [sflag:s10], $0x3840  }
0xb7: {  	[sflag:s10] =	ssyncset.done $0x0  }
0xb8: {  	[sflag:s10] =	ssyncadd.s32 $0xFFFFC7C0  }
0xb9: {  	[tilespmem:s14], [sflag:$0x2] =	stream.indirect.gather [hbm4b:s4+s12], $0x90, s28, s12, $0xb8;
	[tilespmem:$0x1E8C0] =	vst v63  }
0xba: {  	_ =	swait.ge [sflag:s15], $0x3840  }
0xbb: {  	[sflag:s15] =	ssyncset.done $0x0  }
0xbc: {  	[sflag:s15] =	ssyncadd.s32 $0xFFFFC7C0  }
0xbd: {  	[spmem:s2] =	stream.indirect.scatter.add.f32 [tilespmem:s13], [sflag:$0x3], $0x90, s29, s12, $0xb8;
	[tilespmem:$0x1E8C0] =	vst v63  }
0xbe: {  	_ =	swait.ge [sflag:s10], $0x3840  }
0xbf: {  	[sflag:s10] =	ssyncset.done $0x0  }
0xc0: {  	[sflag:s10] =	ssyncadd.s32 $0xFFFFC7C0  }
0xc1: {  	[tilespmem:s13], [sflag:$0x1] =	stream.indirect.gather [hbm4b:s4+s12], $0x90, s30, s12, $0xb8;
	[tilespmem:$0x1E8C0] =	vst v63  }
0xc2: {  	_ =	swait.ge [sflag:s16], $0x3840  }
0xc3: {  	[sflag:s16] =	ssyncset.done $0x0  }
0xc4: {  	[sflag:s16] =	ssyncadd.s32 $0xFFFFC7C0  }
0xc5: {  	[spmem:s2] =	stream.indirect.scatter.add.f32 [tilespmem:s14], [sflag:$0x3], $0x90, s31, s12, $0xb8;
	[tilespmem:$0x1E8C0] =	vst v63  }
0xc6: {  	_ =	swait.ge [sflag:s10], $0x3840  }
0xc7: {  	[sflag:s10] =	ssyncset.done $0x0  }
0xc8: {  	[sflag:s10] =	ssyncadd.s32 $0xFFFFC7C0  }
0xc9: {  	[tilespmem:s14], [sflag:$0x2] =	stream.indirect.gather [hbm4b:s4+s12], $0x90, s1, s12, $0xb8;
	[tilespmem:$0x1E8C0] =	vst v63  }
0xca: {  	_ =	swait.ge [sflag:s15], $0x3840  }
0xcb: {  	[sflag:s15] =	ssyncset.done $0x0  }
0xcc: {  	[sflag:s15] =	ssyncadd.s32 $0xFFFFC7C0  }
0xcd: {  	[spmem:s2] =	stream.indirect.scatter.add.f32 [tilespmem:s13], [sflag:$0x3], $0x90, s0, s12, $0xb8;
	[tilespmem:$0x1E8C0] =	vst v63  }
0xce: {  	_ =	swait.ge [sflag:s10], $0x3840  }
0xcf: {  	[sflag:s10] =	ssyncset.done $0x0  }
0xd0: {  	[sflag:s10] =	ssyncadd.s32 $0xFFFFC7C0  }
0xd1: {  	_ =	swait.ge [sflag:s16], $0x3840  }
0xd2: {  	[sflag:s16] =	ssyncset.done $0x0  }
0xd3: {  	[sflag:s16] =	ssyncadd.s32 $0xFFFFC7C0  }
0xd4: {  	[spmem:s2] =	stream.indirect.scatter.add.f32 [tilespmem:s14], [sflag:$0x3], $0x90, s5, s12, $0xb8;
	[tilespmem:$0x1E8C0] =	vst v63  }
0xd5: {  	s6 =	simm.s32 $0x208;
	_ =	swait.ge [sflag:s10], $0x3840  }
0xd6: {  	s8 =	simm.s32 $0x104;
	s9 =	rddreg [dreg:$0x4];
	[sflag:s10] =	ssyncset.done $0x0  }
.LBB2_2:
0xd7: {  	[sflag:s10] =	ssyncadd.s32 $0xFFFFC7C0;
	s9 =	sadd.s32 s8, s9  }
0xd8: {  	[tilespmem:s3], [sflag:$0x3] =	stream.linear.gather [hbm4b:s9+s3], $0x820, $0x38;
	[tilespmem:$0x1E8C0] =	vst v63  }
0xd9: {  	_ =	swait.ge [sflag:s10], $0x820  }
0xda: {  	s9 =	rddreg [dreg:$0x3];
	[sflag:s10] =	ssyncset.done $0x0  }
0xdb: {  	[sflag:s10] =	ssyncadd.s32 $0xFFFFF7E0;
	s9 =	sadd.s32 s8, s9  }
0xdc: {  	[tilespmem:s11], [sflag:$0x3] =	stream.linear.gather [hbm4b:s9+s3], $0x820, $0x38;
	[tilespmem:$0x1E8C0] =	vst v63  }
0xdd: {  	_ =	swait.ge [sflag:s10], $0x820  }
0xde: {  	[sflag:s10] =	ssyncset.done $0x0  }
0xdf: {  	[sflag:s10] =	ssyncadd.s32 $0xFFFFF7E0  }
0xe0: {  	[tilespmem:s13], [sflag:$0x1] =	stream.indirect.gather [hbm4b:s4+s12], $0x90, s3, s12, $0xb8;
	[tilespmem:$0x1E8C0] =	vst v63  }
0xe1: {  	s9 =	rddreg [dreg:$0x5]  }
0xe2: {  	[tilespmem:s14], [sflag:$0x2] =	stream.indirect.gather [hbm4b:s4+s12], $0x90, s9, s12, $0xb8;
	[tilespmem:$0x1E8C0] =	vst v63  }
0xe3: {  	_ =	swait.ge [sflag:s15], $0x3840  }
0xe4: {  	[sflag:s15] =	ssyncset.done $0x0  }
0xe5: {  	[sflag:s15] =	ssyncadd.s32 $0xFFFFC7C0  }
0xe6: {  	[spmem:s2] =	stream.indirect.scatter.add.f32 [tilespmem:s13], [sflag:$0x3], $0x90, s11, s12, $0xb8;
	[tilespmem:$0x1E8C0] =	vst v63  }
0xe7: {  	_ =	swait.ge [sflag:s10], $0x3840  }
0xe8: {  	[sflag:s10] =	ssyncset.done $0x0  }
0xe9: {  	s9 =	rddreg [dreg:$0x6];
	[sflag:s10] =	ssyncadd.s32 $0xFFFFC7C0  }
0xea: {  	[tilespmem:s13], [sflag:$0x1] =	stream.indirect.gather [hbm4b:s4+s12], $0x90, s9, s12, $0xb8;
	[tilespmem:$0x1E8C0] =	vst v63  }
0xeb: {  	_ =	swait.ge [sflag:s16], $0x3840  }
0xec: {  	[sflag:s16] =	ssyncset.done $0x0  }
0xed: {  	s9 =	rddreg [dreg:$0x7];
	[sflag:s16] =	ssyncadd.s32 $0xFFFFC7C0  }
0xee: {  	[spmem:s2] =	stream.indirect.scatter.add.f32 [tilespmem:s14], [sflag:$0x3], $0x90, s9, s12, $0xb8;
	[tilespmem:$0x1E8C0] =	vst v63  }
0xef: {  	_ =	swait.ge [sflag:s10], $0x3840  }
0xf0: {  	[sflag:s10] =	ssyncset.done $0x0  }
0xf1: {  	s9 =	rddreg [dreg:$0x8];
	[sflag:s10] =	ssyncadd.s32 $0xFFFFC7C0  }
0xf2: {  	[tilespmem:s14], [sflag:$0x2] =	stream.indirect.gather [hbm4b:s4+s12], $0x90, s9, s12, $0xb8;
	[tilespmem:$0x1E8C0] =	vst v63  }
0xf3: {  	_ =	swait.ge [sflag:s15], $0x3840  }
0xf4: {  	[sflag:s15] =	ssyncset.done $0x0  }
0xf5: {  	s9 =	rddreg [dreg:$0x9];
	[sflag:s15] =	ssyncadd.s32 $0xFFFFC7C0  }
0xf6: {  	[spmem:s2] =	stream.indirect.scatter.add.f32 [tilespmem:s13], [sflag:$0x3], $0x90, s9, s12, $0xb8;
	[tilespmem:$0x1E8C0] =	vst v63  }
0xf7: {  	_ =	swait.ge [sflag:s10], $0x3840  }
0xf8: {  	[sflag:s10] =	ssyncset.done $0x0  }
0xf9: {  	s9 =	rddreg [dreg:$0xa];
	[sflag:s10] =	ssyncadd.s32 $0xFFFFC7C0  }
0xfa: {  	[tilespmem:s13], [sflag:$0x1] =	stream.indirect.gather [hbm4b:s4+s12], $0x90, s9, s12, $0xb8;
	[tilespmem:$0x1E8C0] =	vst v63  }
0xfb: {  	_ =	swait.ge [sflag:s16], $0x3840  }
0xfc: {  	[sflag:s16] =	ssyncset.done $0x0  }
0xfd: {  	s9 =	rddreg [dreg:$0xb];
	[sflag:s16] =	ssyncadd.s32 $0xFFFFC7C0  }
0xfe: {  	[spmem:s2] =	stream.indirect.scatter.add.f32 [tilespmem:s14], [sflag:$0x3], $0x90, s9, s12, $0xb8;
	[tilespmem:$0x1E8C0] =	vst v63  }
0xff: {  	_ =	swait.ge [sflag:s10], $0x3840  }
0x100: {  	[sflag:s10] =	ssyncset.done $0x0  }
0x101: {  	s9 =	rddreg [dreg:$0xc];
	[sflag:s10] =	ssyncadd.s32 $0xFFFFC7C0  }
0x102: {  	[tilespmem:s14], [sflag:$0x2] =	stream.indirect.gather [hbm4b:s4+s12], $0x90, s9, s12, $0xb8;
	[tilespmem:$0x1E8C0] =	vst v63  }
0x103: {  	_ =	swait.ge [sflag:s15], $0x3840  }
0x104: {  	[sflag:s15] =	ssyncset.done $0x0  }
0x105: {  	s9 =	rddreg [dreg:$0xd];
	[sflag:s15] =	ssyncadd.s32 $0xFFFFC7C0  }
0x106: {  	[spmem:s2] =	stream.indirect.scatter.add.f32 [tilespmem:s13], [sflag:$0x3], $0x90, s9, s12, $0xb8;
	[tilespmem:$0x1E8C0] =	vst v63  }
0x107: {  	_ =	swait.ge [sflag:s10], $0x3840  }
0x108: {  	[sflag:s10] =	ssyncset.done $0x0  }
0x109: {  	s9 =	rddreg [dreg:$0xe];
	[sflag:s10] =	ssyncadd.s32 $0xFFFFC7C0  }
0x10a: {  	[tilespmem:s13], [sflag:$0x1] =	stream.indirect.gather [hbm4b:s4+s12], $0x90, s9, s12, $0xb8;
	[tilespmem:$0x1E8C0] =	vst v63  }
0x10b: {  	_ =	swait.ge [sflag:s16], $0x3840  }
0x10c: {  	[sflag:s16] =	ssyncset.done $0x0  }
0x10d: {  	s9 =	rddreg [dreg:$0xf];
	[sflag:s16] =	ssyncadd.s32 $0xFFFFC7C0  }
0x10e: {  	[spmem:s2] =	stream.indirect.scatter.add.f32 [tilespmem:s14], [sflag:$0x3], $0x90, s9, s12, $0xb8;
	[tilespmem:$0x1E8C0] =	vst v63  }
0x10f: {  	_ =	swait.ge [sflag:s10], $0x3840  }
0x110: {  	[sflag:s10] =	ssyncset.done $0x0  }
0x111: {  	s9 =	rddreg [dreg:$0x10];
	[sflag:s10] =	ssyncadd.s32 $0xFFFFC7C0  }
0x112: {  	[tilespmem:s14], [sflag:$0x2] =	stream.indirect.gather [hbm4b:s4+s12], $0x90, s9, s12, $0xb8;
	[tilespmem:$0x1E8C0] =	vst v63  }
0x113: {  	_ =	swait.ge [sflag:s15], $0x3840  }
0x114: {  	[sflag:s15] =	ssyncset.done $0x0  }
0x115: {  	s9 =	rddreg [dreg:$0x11];
	[sflag:s15] =	ssyncadd.s32 $0xFFFFC7C0  }
0x116: {  	[spmem:s2] =	stream.indirect.scatter.add.f32 [tilespmem:s13], [sflag:$0x3], $0x90, s9, s12, $0xb8;
	[tilespmem:$0x1E8C0] =	vst v63  }
0x117: {  	_ =	swait.ge [sflag:s10], $0x3840  }
0x118: {  	[sflag:s10] =	ssyncset.done $0x0  }
0x119: {  	s9 =	rddreg [dreg:$0x12];
	[sflag:s10] =	ssyncadd.s32 $0xFFFFC7C0  }
0x11a: {  	[tilespmem:s13], [sflag:$0x1] =	stream.indirect.gather [hbm4b:s4+s12], $0x90, s9, s12, $0xb8;
	[tilespmem:$0x1E8C0] =	vst v63  }
0x11b: {  	_ =	swait.ge [sflag:s16], $0x3840  }
0x11c: {  	[sflag:s16] =	ssyncset.done $0x0  }
0x11d: {  	s9 =	rddreg [dreg:$0x13];
	[sflag:s16] =	ssyncadd.s32 $0xFFFFC7C0  }
0x11e: {  	[spmem:s2] =	stream.indirect.scatter.add.f32 [tilespmem:s14], [sflag:$0x3], $0x90, s9, s12, $0xb8;
	[tilespmem:$0x1E8C0] =	vst v63  }
0x11f: {  	_ =	swait.ge [sflag:s10], $0x3840  }
0x120: {  	[sflag:s10] =	ssyncset.done $0x0  }
0x121: {  	s9 =	rddreg [dreg:$0x14];
	[sflag:s10] =	ssyncadd.s32 $0xFFFFC7C0  }
0x122: {  	[tilespmem:s14], [sflag:$0x2] =	stream.indirect.gather [hbm4b:s4+s12], $0x90, s9, s12, $0xb8;
	[tilespmem:$0x1E8C0] =	vst v63  }
0x123: {  	_ =	swait.ge [sflag:s15], $0x3840  }
0x124: {  	[sflag:s15] =	ssyncset.done $0x0  }
0x125: {  	s9 =	rddreg [dreg:$0x15];
	[sflag:s15] =	ssyncadd.s32 $0xFFFFC7C0  }
0x126: {  	[spmem:s2] =	stream.indirect.scatter.add.f32 [tilespmem:s13], [sflag:$0x3], $0x90, s9, s12, $0xb8;
	[tilespmem:$0x1E8C0] =	vst v63  }
0x127: {  	_ =	swait.ge [sflag:s10], $0x3840  }
0x128: {  	[sflag:s10] =	ssyncset.done $0x0  }
0x129: {  	s9 =	rddreg [dreg:$0x16];
	[sflag:s10] =	ssyncadd.s32 $0xFFFFC7C0  }
0x12a: {  	[tilespmem:s13], [sflag:$0x1] =	stream.indirect.gather [hbm4b:s4+s12], $0x90, s9, s12, $0xb8;
	[tilespmem:$0x1E8C0] =	vst v63  }
0x12b: {  	_ =	swait.ge [sflag:s16], $0x3840  }
0x12c: {  	[sflag:s16] =	ssyncset.done $0x0  }
0x12d: {  	s9 =	rddreg [dreg:$0x17];
	[sflag:s16] =	ssyncadd.s32 $0xFFFFC7C0  }
0x12e: {  	[spmem:s2] =	stream.indirect.scatter.add.f32 [tilespmem:s14], [sflag:$0x3], $0x90, s9, s12, $0xb8;
	[tilespmem:$0x1E8C0] =	vst v63  }
0x12f: {  	_ =	swait.ge [sflag:s10], $0x3840  }
0x130: {  	[sflag:s10] =	ssyncset.done $0x0  }
0x131: {  	s9 =	rddreg [dreg:$0x18];
	[sflag:s10] =	ssyncadd.s32 $0xFFFFC7C0  }
0x132: {  	[tilespmem:s14], [sflag:$0x2] =	stream.indirect.gather [hbm4b:s4+s12], $0x90, s9, s12, $0xb8;
	[tilespmem:$0x1E8C0] =	vst v63  }
0x133: {  	_ =	swait.ge [sflag:s15], $0x3840  }
0x134: {  	[sflag:s15] =	ssyncset.done $0x0  }
0x135: {  	s9 =	rddreg [dreg:$0x19];
	[sflag:s15] =	ssyncadd.s32 $0xFFFFC7C0  }
0x136: {  	[spmem:s2] =	stream.indirect.scatter.add.f32 [tilespmem:s13], [sflag:$0x3], $0x90, s9, s12, $0xb8;
	[tilespmem:$0x1E8C0] =	vst v63  }
0x137: {  	_ =	swait.ge [sflag:s10], $0x3840  }
0x138: {  	[sflag:s10] =	ssyncset.done $0x0  }
0x139: {  	[sflag:s10] =	ssyncadd.s32 $0xFFFFC7C0  }
0x13a: {  	[tilespmem:s13], [sflag:$0x1] =	stream.indirect.gather [hbm4b:s4+s12], $0x90, s17, s12, $0xb8;
	[tilespmem:$0x1E8C0] =	vst v63  }
0x13b: {  	_ =	swait.ge [sflag:s16], $0x3840  }
0x13c: {  	[sflag:s16] =	ssyncset.done $0x0  }
0x13d: {  	[sflag:s16] =	ssyncadd.s32 $0xFFFFC7C0  }
0x13e: {  	[spmem:s2] =	stream.indirect.scatter.add.f32 [tilespmem:s14], [sflag:$0x3], $0x90, s18, s12, $0xb8;
	[tilespmem:$0x1E8C0] =	vst v63  }
0x13f: {  	_ =	swait.ge [sflag:s10], $0x3840  }
0x140: {  	[sflag:s10] =	ssyncset.done $0x0  }
0x141: {  	[sflag:s10] =	ssyncadd.s32 $0xFFFFC7C0  }
0x142: {  	[tilespmem:s14], [sflag:$0x2] =	stream.indirect.gather [hbm4b:s4+s12], $0x90, s19, s12, $0xb8;
	[tilespmem:$0x1E8C0] =	vst v63  }
0x143: {  	_ =	swait.ge [sflag:s15], $0x3840  }
0x144: {  	[sflag:s15] =	ssyncset.done $0x0  }
0x145: {  	[sflag:s15] =	ssyncadd.s32 $0xFFFFC7C0  }
0x146: {  	[spmem:s2] =	stream.indirect.scatter.add.f32 [tilespmem:s13], [sflag:$0x3], $0x90, s20, s12, $0xb8;
	[tilespmem:$0x1E8C0] =	vst v63  }
0x147: {  	_ =	swait.ge [sflag:s10], $0x3840  }
0x148: {  	[sflag:s10] =	ssyncset.done $0x0  }
0x149: {  	[sflag:s10] =	ssyncadd.s32 $0xFFFFC7C0  }
0x14a: {  	[tilespmem:s13], [sflag:$0x1] =	stream.indirect.gather [hbm4b:s4+s12], $0x90, s21, s12, $0xb8;
	[tilespmem:$0x1E8C0] =	vst v63  }
0x14b: {  	_ =	swait.ge [sflag:s16], $0x3840  }
0x14c: {  	[sflag:s16] =	ssyncset.done $0x0  }
0x14d: {  	[sflag:s16] =	ssyncadd.s32 $0xFFFFC7C0  }
0x14e: {  	[spmem:s2] =	stream.indirect.scatter.add.f32 [tilespmem:s14], [sflag:$0x3], $0x90, s22, s12, $0xb8;
	[tilespmem:$0x1E8C0] =	vst v63  }
0x14f: {  	_ =	swait.ge [sflag:s10], $0x3840  }
0x150: {  	[sflag:s10] =	ssyncset.done $0x0  }
0x151: {  	[sflag:s10] =	ssyncadd.s32 $0xFFFFC7C0  }
0x152: {  	[tilespmem:s14], [sflag:$0x2] =	stream.indirect.gather [hbm4b:s4+s12], $0x90, s23, s12, $0xb8;
	[tilespmem:$0x1E8C0] =	vst v63  }
0x153: {  	_ =	swait.ge [sflag:s15], $0x3840  }
0x154: {  	[sflag:s15] =	ssyncset.done $0x0  }
0x155: {  	[sflag:s15] =	ssyncadd.s32 $0xFFFFC7C0  }
0x156: {  	[spmem:s2] =	stream.indirect.scatter.add.f32 [tilespmem:s13], [sflag:$0x3], $0x90, s24, s12, $0xb8;
	[tilespmem:$0x1E8C0] =	vst v63  }
0x157: {  	_ =	swait.ge [sflag:s10], $0x3840  }
0x158: {  	[sflag:s10] =	ssyncset.done $0x0  }
0x159: {  	[sflag:s10] =	ssyncadd.s32 $0xFFFFC7C0  }
0x15a: {  	[tilespmem:s13], [sflag:$0x1] =	stream.indirect.gather [hbm4b:s4+s12], $0x90, s25, s12, $0xb8;
	[tilespmem:$0x1E8C0] =	vst v63  }
0x15b: {  	_ =	swait.ge [sflag:s16], $0x3840  }
0x15c: {  	[sflag:s16] =	ssyncset.done $0x0  }
0x15d: {  	[sflag:s16] =	ssyncadd.s32 $0xFFFFC7C0  }
0x15e: {  	[spmem:s2] =	stream.indirect.scatter.add.f32 [tilespmem:s14], [sflag:$0x3], $0x90, s26, s12, $0xb8;
	[tilespmem:$0x1E8C0] =	vst v63  }
0x15f: {  	_ =	swait.ge [sflag:s10], $0x3840  }
0x160: {  	[sflag:s10] =	ssyncset.done $0x0  }
0x161: {  	[sflag:s10] =	ssyncadd.s32 $0xFFFFC7C0  }
0x162: {  	[tilespmem:s14], [sflag:$0x2] =	stream.indirect.gather [hbm4b:s4+s12], $0x90, s28, s12, $0xb8;
	[tilespmem:$0x1E8C0] =	vst v63  }
0x163: {  	_ =	swait.ge [sflag:s15], $0x3840  }
0x164: {  	[sflag:s15] =	ssyncset.done $0x0  }
0x165: {  	[sflag:s15] =	ssyncadd.s32 $0xFFFFC7C0  }
0x166: {  	[spmem:s2] =	stream.indirect.scatter.add.f32 [tilespmem:s13], [sflag:$0x3], $0x90, s29, s12, $0xb8;
	[tilespmem:$0x1E8C0] =	vst v63  }
0x167: {  	_ =	swait.ge [sflag:s10], $0x3840  }
0x168: {  	[sflag:s10] =	ssyncset.done $0x0  }
0x169: {  	[sflag:s10] =	ssyncadd.s32 $0xFFFFC7C0  }
0x16a: {  	[tilespmem:s13], [sflag:$0x1] =	stream.indirect.gather [hbm4b:s4+s12], $0x90, s30, s12, $0xb8;
	[tilespmem:$0x1E8C0] =	vst v63  }
0x16b: {  	_ =	swait.ge [sflag:s16], $0x3840  }
0x16c: {  	[sflag:s16] =	ssyncset.done $0x0  }
0x16d: {  	[sflag:s16] =	ssyncadd.s32 $0xFFFFC7C0  }
0x16e: {  	[spmem:s2] =	stream.indirect.scatter.add.f32 [tilespmem:s14], [sflag:$0x3], $0x90, s31, s12, $0xb8;
	[tilespmem:$0x1E8C0] =	vst v63  }
0x16f: {  	_ =	swait.ge [sflag:s10], $0x3840  }
0x170: {  	[sflag:s10] =	ssyncset.done $0x0  }
0x171: {  	[sflag:s10] =	ssyncadd.s32 $0xFFFFC7C0  }
0x172: {  	[tilespmem:s14], [sflag:$0x2] =	stream.indirect.gather [hbm4b:s4+s12], $0x90, s1, s12, $0xb8;
	[tilespmem:$0x1E8C0] =	vst v63  }
0x173: {  	_ =	swait.ge [sflag:s15], $0x3840  }
0x174: {  	[sflag:s15] =	ssyncset.done $0x0  }
0x175: {  	[sflag:s15] =	ssyncadd.s32 $0xFFFFC7C0  }
0x176: {  	[spmem:s2] =	stream.indirect.scatter.add.f32 [tilespmem:s13], [sflag:$0x3], $0x90, s0, s12, $0xb8;
	[tilespmem:$0x1E8C0] =	vst v63  }
0x177: {  	_ =	swait.ge [sflag:s10], $0x3840  }
0x178: {  	[sflag:s10] =	ssyncset.done $0x0  }
0x179: {  	[sflag:s10] =	ssyncadd.s32 $0xFFFFC7C0  }
0x17a: {  	p0 =	sne.s32 s6, $0x410;
	_ =	swait.ge [sflag:s16], $0x3840  }
.Ltmp0:
0x17b: {  	[sflag:s16] =	ssyncset.done $0x0;
	(pc) =	sbr.rel @p0 .LBB2_2-.Ltmp0, $4  }
0x17c: {  	[sflag:s16] =	ssyncadd.s32 $0xFFFFC7C0  }
0x17d: {  	[spmem:s2] =	stream.indirect.scatter.add.f32 [tilespmem:s14], [sflag:$0x3], $0x90, s5, s12, $0xb8;
	[tilespmem:$0x1E8C0] =	vst v63  }
0x17e: {  	s7 =	smov.u32 s6;
	s6 =	sadd.s32 $0x104, s6;
	_ =	swait.ge [sflag:s10], $0x3840  }
0x17f: {  	s8 =	smov.u32 s7;
	s9 =	rddreg [dreg:$0x4];
	[sflag:s10] =	ssyncset.done $0x0  }
0x180: {  	[sflag:s10] =	ssyncadd.s32 $0xFFFFC7C0;
	s6 =	sadd.s32 s8, s9  }
0x181: {  	[tilespmem:s3], [sflag:$0x3] =	stream.linear.gather [hbm4b:s6+s3], $0x820, $0x38;
	[tilespmem:$0x1E8C0] =	vst v63  }
0x182: {  	_ =	swait.ge [sflag:s10], $0x820  }
0x183: {  	s7 =	rddreg [dreg:$0x3];
	[sflag:s10] =	ssyncset.done $0x0  }
0x184: {  	s6 =	sadd.s32 s8, s7;
	[sflag:s10] =	ssyncadd.s32 $0xFFFFF7E0  }
0x185: {  	[tilespmem:s11], [sflag:$0x3] =	stream.linear.gather [hbm4b:s6+s3], $0x820, $0x38;
	[tilespmem:$0x1E8C0] =	vst v63  }
0x186: {  	_ =	swait.ge [sflag:s10], $0x820  }
0x187: {  	[sflag:s10] =	ssyncset.done $0x0  }
0x188: {  	[sflag:s10] =	ssyncadd.s32 $0xFFFFF7E0  }
0x189: {  	[tilespmem:s13], [sflag:$0x1] =	stream.indirect.gather [hbm4b:s4+s12], $0x90, s3, s12, $0xb8;
	[tilespmem:$0x1E8C0] =	vst v63  }
0x18a: {  	s9 =	rddreg [dreg:$0x5]  }
0x18b: {  	[tilespmem:s14], [sflag:$0x2] =	stream.indirect.gather [hbm4b:s4+s12], $0x90, s9, s12, $0xb8;
	[tilespmem:$0x1E8C0] =	vst v63  }
0x18c: {  	_ =	swait.ge [sflag:s15], $0x3840  }
0x18d: {  	[sflag:s15] =	ssyncset.done $0x0  }
0x18e: {  	[sflag:s15] =	ssyncadd.s32 $0xFFFFC7C0  }
0x18f: {  	[spmem:s2] =	stream.indirect.scatter.add.f32 [tilespmem:s13], [sflag:$0x3], $0x90, s11, s12, $0xb8;
	[tilespmem:$0x1E8C0] =	vst v63  }
0x190: {  	_ =	swait.ge [sflag:s10], $0x3840  }
0x191: {  	[sflag:s10] =	ssyncset.done $0x0  }
0x192: {  	s7 =	rddreg [dreg:$0x6];
	[sflag:s10] =	ssyncadd.s32 $0xFFFFC7C0  }
0x193: {  	[tilespmem:s13], [sflag:$0x1] =	stream.indirect.gather [hbm4b:s4+s12], $0x90, s7, s12, $0xb8;
	[tilespmem:$0x1E8C0] =	vst v63  }
0x194: {  	_ =	swait.ge [sflag:s16], $0x3840  }
0x195: {  	[sflag:s16] =	ssyncset.done $0x0  }
0x196: {  	s8 =	rddreg [dreg:$0x7];
	[sflag:s16] =	ssyncadd.s32 $0xFFFFC7C0  }
0x197: {  	[spmem:s2] =	stream.indirect.scatter.add.f32 [tilespmem:s14], [sflag:$0x3], $0x90, s8, s12, $0xb8;
	[tilespmem:$0x1E8C0] =	vst v63  }
0x198: {  	_ =	swait.ge [sflag:s10], $0x3840  }
0x199: {  	[sflag:s10] =	ssyncset.done $0x0  }
0x19a: {  	s9 =	rddreg [dreg:$0x8];
	[sflag:s10] =	ssyncadd.s32 $0xFFFFC7C0  }
0x19b: {  	[tilespmem:s14], [sflag:$0x2] =	stream.indirect.gather [hbm4b:s4+s12], $0x90, s9, s12, $0xb8;
	[tilespmem:$0x1E8C0] =	vst v63  }
0x19c: {  	_ =	swait.ge [sflag:s15], $0x3840  }
0x19d: {  	[sflag:s15] =	ssyncset.done $0x0  }
0x19e: {  	s7 =	rddreg [dreg:$0x9];
	[sflag:s15] =	ssyncadd.s32 $0xFFFFC7C0  }
0x19f: {  	[spmem:s2] =	stream.indirect.scatter.add.f32 [tilespmem:s13], [sflag:$0x3], $0x90, s7, s12, $0xb8;
	[tilespmem:$0x1E8C0] =	vst v63  }
0x1a0: {  	_ =	swait.ge [sflag:s10], $0x3840  }
0x1a1: {  	[sflag:s10] =	ssyncset.done $0x0  }
0x1a2: {  	s8 =	rddreg [dreg:$0xa];
	[sflag:s10] =	ssyncadd.s32 $0xFFFFC7C0  }
0x1a3: {  	[tilespmem:s13], [sflag:$0x1] =	stream.indirect.gather [hbm4b:s4+s12], $0x90, s8, s12, $0xb8;
	[tilespmem:$0x1E8C0] =	vst v63  }
0x1a4: {  	_ =	swait.ge [sflag:s16], $0x3840  }
0x1a5: {  	[sflag:s16] =	ssyncset.done $0x0  }
0x1a6: {  	s9 =	rddreg [dreg:$0xb];
	[sflag:s16] =	ssyncadd.s32 $0xFFFFC7C0  }
0x1a7: {  	[spmem:s2] =	stream.indirect.scatter.add.f32 [tilespmem:s14], [sflag:$0x3], $0x90, s9, s12, $0xb8;
	[tilespmem:$0x1E8C0] =	vst v63  }
0x1a8: {  	_ =	swait.ge [sflag:s10], $0x3840  }
0x1a9: {  	[sflag:s10] =	ssyncset.done $0x0  }
0x1aa: {  	s7 =	rddreg [dreg:$0xc];
	[sflag:s10] =	ssyncadd.s32 $0xFFFFC7C0  }
0x1ab: {  	[tilespmem:s14], [sflag:$0x2] =	stream.indirect.gather [hbm4b:s4+s12], $0x90, s7, s12, $0xb8;
	[tilespmem:$0x1E8C0] =	vst v63  }
0x1ac: {  	_ =	swait.ge [sflag:s15], $0x3840  }
0x1ad: {  	[sflag:s15] =	ssyncset.done $0x0  }
0x1ae: {  	s8 =	rddreg [dreg:$0xd];
	[sflag:s15] =	ssyncadd.s32 $0xFFFFC7C0  }
0x1af: {  	[spmem:s2] =	stream.indirect.scatter.add.f32 [tilespmem:s13], [sflag:$0x3], $0x90, s8, s12, $0xb8;
	[tilespmem:$0x1E8C0] =	vst v63  }
0x1b0: {  	_ =	swait.ge [sflag:s10], $0x3840  }
0x1b1: {  	[sflag:s10] =	ssyncset.done $0x0  }
0x1b2: {  	s9 =	rddreg [dreg:$0xe];
	[sflag:s10] =	ssyncadd.s32 $0xFFFFC7C0  }
0x1b3: {  	[tilespmem:s13], [sflag:$0x1] =	stream.indirect.gather [hbm4b:s4+s12], $0x90, s9, s12, $0xb8;
	[tilespmem:$0x1E8C0] =	vst v63  }
0x1b4: {  	_ =	swait.ge [sflag:s16], $0x3840  }
0x1b5: {  	[sflag:s16] =	ssyncset.done $0x0  }
0x1b6: {  	s7 =	rddreg [dreg:$0xf];
	[sflag:s16] =	ssyncadd.s32 $0xFFFFC7C0  }
0x1b7: {  	[spmem:s2] =	stream.indirect.scatter.add.f32 [tilespmem:s14], [sflag:$0x3], $0x90, s7, s12, $0xb8;
	[tilespmem:$0x1E8C0] =	vst v63  }
0x1b8: {  	_ =	swait.ge [sflag:s10], $0x3840  }
0x1b9: {  	[sflag:s10] =	ssyncset.done $0x0  }
0x1ba: {  	s8 =	rddreg [dreg:$0x10];
	[sflag:s10] =	ssyncadd.s32 $0xFFFFC7C0  }
0x1bb: {  	[tilespmem:s14], [sflag:$0x2] =	stream.indirect.gather [hbm4b:s4+s12], $0x90, s8, s12, $0xb8;
	[tilespmem:$0x1E8C0] =	vst v63  }
0x1bc: {  	_ =	swait.ge [sflag:s15], $0x3840  }
0x1bd: {  	[sflag:s15] =	ssyncset.done $0x0  }
0x1be: {  	s9 =	rddreg [dreg:$0x11];
	[sflag:s15] =	ssyncadd.s32 $0xFFFFC7C0  }
0x1bf: {  	[spmem:s2] =	stream.indirect.scatter.add.f32 [tilespmem:s13], [sflag:$0x3], $0x90, s9, s12, $0xb8;
	[tilespmem:$0x1E8C0] =	vst v63  }
0x1c0: {  	_ =	swait.ge [sflag:s10], $0x3840  }
0x1c1: {  	[sflag:s10] =	ssyncset.done $0x0  }
0x1c2: {  	s7 =	rddreg [dreg:$0x12];
	[sflag:s10] =	ssyncadd.s32 $0xFFFFC7C0  }
0x1c3: {  	[tilespmem:s13], [sflag:$0x1] =	stream.indirect.gather [hbm4b:s4+s12], $0x90, s7, s12, $0xb8;
	[tilespmem:$0x1E8C0] =	vst v63  }
0x1c4: {  	_ =	swait.ge [sflag:s16], $0x3840  }
0x1c5: {  	[sflag:s16] =	ssyncset.done $0x0  }
0x1c6: {  	s8 =	rddreg [dreg:$0x13];
	[sflag:s16] =	ssyncadd.s32 $0xFFFFC7C0  }
0x1c7: {  	[spmem:s2] =	stream.indirect.scatter.add.f32 [tilespmem:s14], [sflag:$0x3], $0x90, s8, s12, $0xb8;
	[tilespmem:$0x1E8C0] =	vst v63  }
0x1c8: {  	_ =	swait.ge [sflag:s10], $0x3840  }
0x1c9: {  	[sflag:s10] =	ssyncset.done $0x0  }
0x1ca: {  	s9 =	rddreg [dreg:$0x14];
	[sflag:s10] =	ssyncadd.s32 $0xFFFFC7C0  }
0x1cb: {  	[tilespmem:s14], [sflag:$0x2] =	stream.indirect.gather [hbm4b:s4+s12], $0x90, s9, s12, $0xb8;
	[tilespmem:$0x1E8C0] =	vst v63  }
0x1cc: {  	_ =	swait.ge [sflag:s15], $0x3840  }
0x1cd: {  	[sflag:s15] =	ssyncset.done $0x0  }
0x1ce: {  	s7 =	rddreg [dreg:$0x15];
	[sflag:s15] =	ssyncadd.s32 $0xFFFFC7C0  }
0x1cf: {  	[spmem:s2] =	stream.indirect.scatter.add.f32 [tilespmem:s13], [sflag:$0x3], $0x90, s7, s12, $0xb8;
	[tilespmem:$0x1E8C0] =	vst v63  }
0x1d0: {  	_ =	swait.ge [sflag:s10], $0x3840  }
0x1d1: {  	[sflag:s10] =	ssyncset.done $0x0  }
0x1d2: {  	s8 =	rddreg [dreg:$0x16];
	[sflag:s10] =	ssyncadd.s32 $0xFFFFC7C0  }
0x1d3: {  	[tilespmem:s13], [sflag:$0x1] =	stream.indirect.gather [hbm4b:s4+s12], $0x90, s8, s12, $0xb8;
	[tilespmem:$0x1E8C0] =	vst v63  }
0x1d4: {  	_ =	swait.ge [sflag:s16], $0x3840  }
0x1d5: {  	[sflag:s16] =	ssyncset.done $0x0  }
0x1d6: {  	s9 =	rddreg [dreg:$0x17];
	[sflag:s16] =	ssyncadd.s32 $0xFFFFC7C0  }
0x1d7: {  	[spmem:s2] =	stream.indirect.scatter.add.f32 [tilespmem:s14], [sflag:$0x3], $0x90, s9, s12, $0xb8;
	[tilespmem:$0x1E8C0] =	vst v63  }
0x1d8: {  	_ =	swait.ge [sflag:s10], $0x3840  }
0x1d9: {  	[sflag:s10] =	ssyncset.done $0x0  }
0x1da: {  	s7 =	rddreg [dreg:$0x18];
	[sflag:s10] =	ssyncadd.s32 $0xFFFFC7C0  }
0x1db: {  	[tilespmem:s14], [sflag:$0x2] =	stream.indirect.gather [hbm4b:s4+s12], $0x90, s7, s12, $0xb8;
	[tilespmem:$0x1E8C0] =	vst v63  }
0x1dc: {  	_ =	swait.ge [sflag:s15], $0x3840  }
0x1dd: {  	[sflag:s15] =	ssyncset.done $0x0  }
0x1de: {  	s8 =	rddreg [dreg:$0x19];
	[sflag:s15] =	ssyncadd.s32 $0xFFFFC7C0  }
0x1df: {  	[spmem:s2] =	stream.indirect.scatter.add.f32 [tilespmem:s13], [sflag:$0x3], $0x90, s8, s12, $0xb8;
	[tilespmem:$0x1E8C0] =	vst v63  }
0x1e0: {  	_ =	swait.ge [sflag:s10], $0x3840  }
0x1e1: {  	[sflag:s10] =	ssyncset.done $0x0  }
0x1e2: {  	[sflag:s10] =	ssyncadd.s32 $0xFFFFC7C0  }
0x1e3: {  	[tilespmem:s13], [sflag:$0x1] =	stream.indirect.gather [hbm4b:s4+s12], $0x90, s17, s12, $0xb8;
	[tilespmem:$0x1E8C0] =	vst v63  }
0x1e4: {  	_ =	swait.ge [sflag:s16], $0x3840  }
0x1e5: {  	[sflag:s16] =	ssyncset.done $0x0  }
0x1e6: {  	[sflag:s16] =	ssyncadd.s32 $0xFFFFC7C0  }
0x1e7: {  	[spmem:s2] =	stream.indirect.scatter.add.f32 [tilespmem:s14], [sflag:$0x3], $0x90, s18, s12, $0xb8;
	[tilespmem:$0x1E8C0] =	vst v63  }
0x1e8: {  	_ =	swait.ge [sflag:s10], $0x3840  }
0x1e9: {  	[sflag:s10] =	ssyncset.done $0x0  }
0x1ea: {  	[sflag:s10] =	ssyncadd.s32 $0xFFFFC7C0  }
0x1eb: {  	[tilespmem:s14], [sflag:$0x2] =	stream.indirect.gather [hbm4b:s4+s12], $0x90, s19, s12, $0xb8;
	[tilespmem:$0x1E8C0] =	vst v63  }
0x1ec: {  	_ =	swait.ge [sflag:s15], $0x3840  }
0x1ed: {  	[sflag:s15] =	ssyncset.done $0x0  }
0x1ee: {  	[sflag:s15] =	ssyncadd.s32 $0xFFFFC7C0  }
0x1ef: {  	[spmem:s2] =	stream.indirect.scatter.add.f32 [tilespmem:s13], [sflag:$0x3], $0x90, s20, s12, $0xb8;
	[tilespmem:$0x1E8C0] =	vst v63  }
0x1f0: {  	_ =	swait.ge [sflag:s10], $0x3840  }
0x1f1: {  	[sflag:s10] =	ssyncset.done $0x0  }
0x1f2: {  	[sflag:s10] =	ssyncadd.s32 $0xFFFFC7C0  }
0x1f3: {  	[tilespmem:s13], [sflag:$0x1] =	stream.indirect.gather [hbm4b:s4+s12], $0x90, s21, s12, $0xb8;
	[tilespmem:$0x1E8C0] =	vst v63  }
0x1f4: {  	_ =	swait.ge [sflag:s16], $0x3840  }
0x1f5: {  	[sflag:s16] =	ssyncset.done $0x0  }
0x1f6: {  	[sflag:s16] =	ssyncadd.s32 $0xFFFFC7C0  }
0x1f7: {  	[spmem:s2] =	stream.indirect.scatter.add.f32 [tilespmem:s14], [sflag:$0x3], $0x90, s22, s12, $0xb8;
	[tilespmem:$0x1E8C0] =	vst v63  }
0x1f8: {  	_ =	swait.ge [sflag:s10], $0x3840  }
0x1f9: {  	[sflag:s10] =	ssyncset.done $0x0  }
0x1fa: {  	[sflag:s10] =	ssyncadd.s32 $0xFFFFC7C0  }
0x1fb: {  	[tilespmem:s14], [sflag:$0x2] =	stream.indirect.gather [hbm4b:s4+s12], $0x90, s23, s12, $0xb8;
	[tilespmem:$0x1E8C0] =	vst v63  }
0x1fc: {  	_ =	swait.ge [sflag:s15], $0x3840  }
0x1fd: {  	[sflag:s15] =	ssyncset.done $0x0  }
0x1fe: {  	[sflag:s15] =	ssyncadd.s32 $0xFFFFC7C0  }
0x1ff: {  	[spmem:s2] =	stream.indirect.scatter.add.f32 [tilespmem:s13], [sflag:$0x3], $0x90, s24, s12, $0xb8;
	[tilespmem:$0x1E8C0] =	vst v63  }
0x200: {  	_ =	swait.ge [sflag:s10], $0x3840  }
0x201: {  	[sflag:s10] =	ssyncset.done $0x0  }
0x202: {  	[sflag:s10] =	ssyncadd.s32 $0xFFFFC7C0  }
0x203: {  	[tilespmem:s13], [sflag:$0x1] =	stream.indirect.gather [hbm4b:s4+s12], $0x90, s25, s12, $0xb8;
	[tilespmem:$0x1E8C0] =	vst v63  }
0x204: {  	_ =	swait.ge [sflag:s16], $0x3840  }
0x205: {  	[sflag:s16] =	ssyncset.done $0x0  }
0x206: {  	[sflag:s16] =	ssyncadd.s32 $0xFFFFC7C0  }
0x207: {  	[spmem:s2] =	stream.indirect.scatter.add.f32 [tilespmem:s14], [sflag:$0x3], $0x90, s26, s12, $0xb8;
	[tilespmem:$0x1E8C0] =	vst v63  }
0x208: {  	_ =	swait.ge [sflag:s10], $0x3840  }
0x209: {  	[sflag:s10] =	ssyncset.done $0x0  }
0x20a: {  	[sflag:s10] =	ssyncadd.s32 $0xFFFFC7C0  }
0x20b: {  	[tilespmem:s14], [sflag:$0x2] =	stream.indirect.gather [hbm4b:s4+s12], $0x90, s28, s12, $0xb8;
	[tilespmem:$0x1E8C0] =	vst v63  }
0x20c: {  	_ =	swait.ge [sflag:s15], $0x3840  }
0x20d: {  	[sflag:s15] =	ssyncset.done $0x0  }
0x20e: {  	[sflag:s15] =	ssyncadd.s32 $0xFFFFC7C0  }
0x20f: {  	[spmem:s2] =	stream.indirect.scatter.add.f32 [tilespmem:s13], [sflag:$0x3], $0x90, s29, s12, $0xb8;
	[tilespmem:$0x1E8C0] =	vst v63  }
0x210: {  	_ =	swait.ge [sflag:s10], $0x3840  }
0x211: {  	[sflag:s10] =	ssyncset.done $0x0  }
0x212: {  	[sflag:s10] =	ssyncadd.s32 $0xFFFFC7C0  }
0x213: {  	[tilespmem:s13], [sflag:$0x1] =	stream.indirect.gather [hbm4b:s4+s12], $0x90, s30, s12, $0xb8;
	[tilespmem:$0x1E8C0] =	vst v63  }
0x214: {  	_ =	swait.ge [sflag:s16], $0x3840  }
0x215: {  	[sflag:s16] =	ssyncset.done $0x0  }
0x216: {  	[sflag:s16] =	ssyncadd.s32 $0xFFFFC7C0  }
0x217: {  	[spmem:s2] =	stream.indirect.scatter.add.f32 [tilespmem:s14], [sflag:$0x3], $0x90, s31, s12, $0xb8;
	[tilespmem:$0x1E8C0] =	vst v63  }
0x218: {  	_ =	swait.ge [sflag:s10], $0x3840  }
0x219: {  	[sflag:s10] =	ssyncset.done $0x0  }
0x21a: {  	[sflag:s10] =	ssyncadd.s32 $0xFFFFC7C0  }
0x21b: {  	[tilespmem:s14], [sflag:$0x2] =	stream.indirect.gather [hbm4b:s4+s12], $0x90, s1, s12, $0xb8;
	[tilespmem:$0x1E8C0] =	vst v63  }
0x21c: {  	_ =	swait.ge [sflag:s15], $0x3840  }
0x21d: {  	[sflag:s15] =	ssyncset.done $0x0  }
0x21e: {  	[sflag:s15] =	ssyncadd.s32 $0xFFFFC7C0  }
0x21f: {  	[spmem:s2] =	stream.indirect.scatter.add.f32 [tilespmem:s13], [sflag:$0x3], $0x90, s0, s12, $0xb8;
	[tilespmem:$0x1E8C0] =	vst v63  }
0x220: {  	_ =	swait.ge [sflag:s10], $0x3840  }
0x221: {  	[sflag:s10] =	ssyncset.done $0x0  }
0x222: {  	[sflag:s10] =	ssyncadd.s32 $0xFFFFC7C0  }
0x223: {  	_ =	swait.ge [sflag:s16], $0x3840  }
0x224: {  	[sflag:s16] =	ssyncset.done $0x0  }
0x225: {  	[sflag:s16] =	ssyncadd.s32 $0xFFFFC7C0  }
0x226: {  	[spmem:s2] =	stream.indirect.scatter.add.f32 [tilespmem:s14], [sflag:$0x3], $0x90, s5, s12, $0xb8;
	[tilespmem:$0x1E8C0] =	vst v63  }
0x227: {  	_ =	swait.ge [sflag:s10], $0x3840  }
0x228: {  	[sflag:s10] =	ssyncset.done $0x0  }
0x229: {  	[sflag:s10] =	ssyncadd.s32 $0xFFFFC7C0  }
0x22a: {  	[bflag:$0x0] =	sbarrier.arrive $0xFFFF  }
0x22b: {  	s8 =	rddreg [dreg:$0x1b]  }
0x22c: {  	s9 =	rddreg [dreg:$0x1c]  }
0x22d: {  	s7 =	rddreg [dreg:$0x1e]  }
0x22e: {  	[hbm:s9], [sflag:s8] =	dma.local [spmem:s7], $0x2D00  }
0x22f: {  	_ =	swait.ge [sflag:s10], $0x2D00  }
0x230: {  	s6 =	rddreg [dreg:$0x1f]  }
0x231: {  	s9 =	sadd.s32 $0x1, s6;
	s6 =	rddreg [dreg:$0x1d]  }
0x232: {  	p0 =	sne.s32 s9, s6  }
.Ltmp1:
0x233: {  	_ = 	snop;
	(pc) =	sbr.rel @p0 .LBB2_1-.Ltmp1, $3  }
0x234: {  	_ =	sdelay $0x1  }
0x235: {  	[sflag:s10] =	ssyncset.done $0x0  }
0x236: {  	[sflag:s10] =	ssyncadd.s32 $0xFFFFD300  }
0x237: {  	_ =	sfence.sel $0x180000  }
0x238: {  	[bflag:$0x0] =	sbarrier.arrive $0xFFFF  }
0x239: {  	_ =	strace $0x90000047  }
0x23a: {  	s0 =	stileid.u32;
	[bflag:$0x2] =	sbarrier.arrive $0xFFFF  }
0x23b: {  	p0 =	sne.s32 s0, $0x0;
	s0 =	rddreg [dreg:$0x2]  }
0x23c: {  	s0 =	sadd.s32 @!p0 $0x100000, s0  }
0x23d: {  	[sflag:s0] =	ssyncadd.tile.s32 @!p0 $0x1;
	_ =	shalt  }
.Lfunc_end2:
_tile_overlayer_lowered:
.L_overlay_start_2:
0x23e: {  	(tag) =	ssettag $0x2  }
0x23f: {  	s0 =	rddreg [dreg:$0x0];
	s2 =	stileid.u32  }
0x240: {  	s1 =	rddreg [dreg:$0x1];
	p0 =	sne.s32 s2, $0x0  }
0x241: {  	s3 =	rddreg [dreg:$0x2];
	[bflag:$0x3] =	sbarrier.arrive $0xFFFF;
	s2 =	simm.s32 @!p0 $0x1C03  }
0x242: {  	[timem:s3], [sflag:s2] =	dma.local @!p0 [hbm:s0], s1  }
0x243: {  	s0 =	simm.s32 @!p0 $0x3  }
0x244: {  	_ =	swait.ge @!p0 [sflag:s0], s1  }
0x245: {  	s1 =	ssub.s32 @!p0 $0x0, s1;
	[sflag:s0] =	ssyncset.done @!p0 $0x0  }
0x246: {  	[sflag:s0] =	ssyncadd.s32 @!p0 s1  }
0x247: {  	[bflag:$0x3] =	sbarrier.arrive $0xFFFF  }
0x248: {  	_ =	shalt  }

// kernel: kernel.9.cloned.1.call-start
scs
__scs_entry_jumppad:
0x0: {  	(pc) =	sbr.rel $0x88, $3  }
0x1: {  	(tag) =	ssettag $0x0;
	lr =	simm.s32 $0x1  }
0x2: {  	[smem:$0x3F95] =	sst lr;
	_ =	strace $0xD0000000  }
0x3: {  	_ = 	snop  }
0x4: {  	_ = 	snop  }
0x5: {  	_ = 	snop  }
0x6: {  	_ = 	snop  }
0x7: {  	_ = 	snop  }
__scs_overlays_trampoline_lowered:
0x8: {  	[smem:$0x3FA4] =	sst s0  }
0x9: {  	[smem:$0x3FA5] =	sst s1  }
0xa: {  	[smem:$0x3FA6] =	sst s2  }
0xb: {  	[smem:$0x3FA7] =	sst s3  }
0xc: {  	[smem:$0x3FA8] =	sst s4  }
0xd: {  	[smem:$0x3FA9] =	sst s5  }
0xe: {  	[smem:$0x3FAA] =	sst s6  }
0xf: {  	[smem:$0x3FAB] =	sst s7  }
0x10: {  	[smem:$0x3FAC] =	sst s8  }
0x11: {  	[smem:$0x3FAD] =	sst s9;
	s0 =	simm.s32 @!p0 $0x0  }
0x12: {  	s1 =	sld [smem:$0x3F93];
	s0 =	simm.s32 @p0 $0x1  }
0x13: {  	[smem:$0x3FAE] =	sst s0;
	s0 =	simm.s32 @!p1 $0x0  }
0x14: {  	s2 =	sld [smem:$0x3F92];
	s0 =	simm.s32 @p1 $0x1  }
0x15: {  	[smem:$0x3FAF] =	sst s0;
	s0 =	simm.s32 @!p2 $0x0  }
0x16: {  	s3 =	sld [smem:$0x3FDB];
	s0 =	simm.s32 @p2 $0x1  }
0x17: {  	s4 =	simm.s32 $0x1BF5;
	[smem:$0x3FB1] =	sst s0  }
0x18: {  	s0 =	sld [smem:$0x3F94];
	_ =	swait.ge [sflag:s4], $0x0  }
0x19: {  	s7 =	sld [smem:$0x3F95]  }
0x1a: {  	s8 =	sadd.s32 $0xFFFFE003, lr  }
0x1b: {  	s9 =	sadd.s32 $0xFFFFFEF7, lr;
	s5 =	simm.s32 $0xFFFFFFFF;
	p2 =	slt.u32 s8, $0xFFFFF086  }
0x1c: {  	p1 =	slt.u32 s9, $0xF7A;
	s5 =	simm.s32 @!p2 $0x0  }
0x1d: {  	s5 =	simm.s32 @p1 $0x1;
	p0 =	seq.s32 s7, s2  }
0x1e: {  	s7 =	smul.u32 @!p0 $0xF7A, s2;
	p2 =	seq.s32 @!p0 s5, $0x0  }
0x1f: {  	s9 =	smul.u32 $0xF7A, s1;
	s8 =	simm.s32 @!p0 $0x1BF5;
	p2 =	por !p2, p0  }
0x20: {  	[sflag:s8] =	ssyncset.s32 @!p0 $0xFFFFF086;
	s6 =	sadd.s32 @!p0 s3, s7;
	s7 =	simm.s32 @!p0 $0x108  }
0x21: {  	s3 =	sadd.s32 s3, s9;
	s6 =	sadd.s32 @!p0 $0x88, s6;
	s7 =	simm.s32 @p2 $0x1082  }
0x22: {  	[simem:s7], [sflag:s8] =	dma.local @!p0 [hbm:s6], $0xF7A  }
0x23: {  	s9 =	sor.u32 $0xD0000000, s2;
	s6 =	simm.s32 $0x108;
	_ =	swait.ge @!p0 [sflag:s8], $0x0  }
0x24: {  	s3 =	sadd.s32 $0x88, s3;
	s6 =	simm.s32 @!p1 $0x1082;
	[sflag:s4] =	ssyncset.s32 $0xFFFFF086  }
0x25: {  	[simem:s6], [sflag:s4] =	dma.local [hbm:s3], $0xF7A  }
0x26: {  	[smem:$0x3F95] =	sst s1;
	(tag) =	ssettag s2;
	_ =	strace s9  }
0x27: {  	s1 =	sld [smem:$0x3FA5]  }
0x28: {  	s2 =	sld [smem:$0x3FA6]  }
0x29: {  	s4 =	sld [smem:$0x3FA8]  }
0x2a: {  	p0 =	seq.s32 s5, $0x0;
	s5 =	sld [smem:$0x3FA9]  }
0x2b: {  	s6 =	sld [smem:$0x3FAA]  }
0x2c: {  	s7 =	sld [smem:$0x3FAB]  }
0x2d: {  	s3 =	simm.s32 $0x108;
	s8 =	sld [smem:$0x3FAC]  }
0x2e: {  	s3 =	simm.s32 @!p0 $0x1082;
	s9 =	sld [smem:$0x3FAD]  }
0x2f: {  	lr =	sadd.s32 s0, s3;
	s0 =	sld [smem:$0x3FA4]  }
0x30: {  	s3 =	sld [smem:$0x3FA7]  }
0x31: {  	[smem:$0x3FB0] =	sst s10  }
0x32: {  	s10 =	sld [smem:$0x3FAE];
	_ =	sdelay $0x3  }
0x33: {  	p0 =	seq.s32 s10, $0x1;
	s10 =	sld [smem:$0x3FB0];
	_ =	sdelay $0x3  }
0x34: {  	[smem:$0x3FB0] =	sst s10  }
0x35: {  	s10 =	sld [smem:$0x3FAF];
	_ =	sdelay $0x3  }
0x36: {  	p1 =	seq.s32 s10, $0x1;
	s10 =	sld [smem:$0x3FB0];
	_ =	sdelay $0x3  }
0x37: {  	[smem:$0x3FB0] =	sst s10  }
0x38: {  	s10 =	sld [smem:$0x3FB1]  }
0x39: {  	_ = 	snop;
	(pc) =	sbr.ind lr, $3  }
0x3a: {  	_ = 	snop  }
0x3b: {  	_ = 	snop  }
0x3c: {  	p2 =	seq.s32 s10, $0x1;
	s10 =	sld [smem:$0x3FB0]  }
0x3d: {  	_ =	shalt  }
0x3e: {  	_ =	shalt  }
0x3f: {  	_ =	shalt  }
0x40: {  	_ =	shalt  }
0x41: {  	_ =	shalt  }
0x42: {  	_ =	shalt  }
0x43: {  	_ =	shalt  }
0x44: {  	_ =	shalt  }
0x45: {  	_ =	shalt  }
0x46: {  	_ =	shalt  }
0x47: {  	_ =	shalt  }
0x48: {  	_ =	shalt  }
0x49: {  	_ =	shalt  }
0x4a: {  	_ =	shalt  }
0x4b: {  	_ =	shalt  }
0x4c: {  	_ =	shalt  }
0x4d: {  	_ =	shalt  }
0x4e: {  	_ =	shalt  }
0x4f: {  	_ =	shalt  }
0x50: {  	_ =	shalt  }
0x51: {  	_ =	shalt  }
0x52: {  	_ =	shalt  }
0x53: {  	_ =	shalt  }
0x54: {  	_ =	shalt  }
0x55: {  	_ =	shalt  }
0x56: {  	_ =	shalt  }
0x57: {  	_ =	shalt  }
0x58: {  	_ =	shalt  }
0x59: {  	_ =	shalt  }
0x5a: {  	_ =	shalt  }
0x5b: {  	_ =	shalt  }
0x5c: {  	_ =	shalt  }
0x5d: {  	_ =	shalt  }
0x5e: {  	_ =	shalt  }
0x5f: {  	_ =	shalt  }
0x60: {  	_ =	shalt  }
0x61: {  	_ =	shalt  }
0x62: {  	_ =	shalt  }
0x63: {  	_ =	shalt  }
0x64: {  	_ =	shalt  }
0x65: {  	_ =	shalt  }
0x66: {  	_ =	shalt  }
0x67: {  	_ =	shalt  }
0x68: {  	_ =	shalt  }
0x69: {  	_ =	shalt  }
0x6a: {  	_ =	shalt  }
0x6b: {  	_ =	shalt  }
0x6c: {  	_ =	shalt  }
0x6d: {  	_ =	shalt  }
0x6e: {  	_ =	shalt  }
0x6f: {  	_ =	shalt  }
0x70: {  	_ =	shalt  }
0x71: {  	_ =	shalt  }
0x72: {  	_ =	shalt  }
0x73: {  	_ =	shalt  }
0x74: {  	_ =	shalt  }
0x75: {  	_ =	shalt  }
0x76: {  	_ =	shalt  }
0x77: {  	_ =	shalt  }
0x78: {  	_ =	shalt  }
0x79: {  	_ =	shalt  }
0x7a: {  	_ =	shalt  }
0x7b: {  	_ =	shalt  }
0x7c: {  	_ =	shalt  }
0x7d: {  	_ =	shalt  }
0x7e: {  	_ =	shalt  }
0x7f: {  	_ =	shalt  }
0x80: {  	_ =	shalt  }
0x81: {  	_ =	shalt  }
0x82: {  	_ =	shalt  }
0x83: {  	_ =	shalt  }
0x84: {  	_ =	shalt  }
0x85: {  	_ =	shalt  }
0x86: {  	_ =	shalt  }
0x87: {  	_ =	shalt  }
.Lfunc_end0:
.L_simem_size_0:
called_computation.1_lowered:
.L_overlay_start_0:
0x88: {  	s2 =	sld [smem:$0x3FD9]  }
0x89: {  	s3 =	sld [smem:$0x3FFE];
	_ =	sdelay $0x1  }
0x8a: {  	s1 =	srdreg.scid  }
0x8b: {  	s0 =	sand.u32 $0x1, s1  }
0x8c: {  	s16 =	sshll.u32 s0, $0xA;
	s2 =	sadd.s32 s3, s2  }
0x8d: {  	s2 =	sadd.s32 s2, s16  }
0x8e: {  	[smem:$0x3FBC] =	sst s2  }
0x8f: {  	_ = 	snop  }
0x90: {  	(tm) =	ssettm $0x1  }
0x91: {  	s17 =	sld [smem:$0x3FFB];
	_ =	sdelay $0x3  }
0x92: {  	_ =	strace s17  }
0x93: {  	s2 =	sld [smem:$0x3FFC];
	_ =	sdelay $0x3  }
0x94: {  	_ =	strace s2  }
0x95: {  	s2 =	sld [smem:$0x3FFD];
	_ =	sdelay $0x3  }
0x96: {  	_ =	strace s2  }
0x97: {  	_ =	strace $0x8FFFFFFF  }
0x98: {  	s18 =	sld [smem:$0x3FDB];
	_ =	sdelay $0x1  }
0x99: {  	s19 =	simm.s32 $_scs_section_size  }
0x9a: {  	s4 =	simm.s32 $_size__tile_overlayer_lowered;
	s5 =	simm.s32 $_tile_overlayer_lowered  }
0x9b: {  	s22 =	simm.s32 $0x1BFF;
	s21 =	sshll.u32 s5, $0x1;
	s2 =	sadd.s32 s19, s18  }
0x9c: {  	s6 =	simm.s32 $0x0;
	s20 =	sshll.u32 s4, $0x1;
	s4 =	sadd.s32 s21, s2  }
0x9d: {  	[timem:s6], [sflag:s22] =	dma.local [hbm:s4], s20  }
0x9e: {  	_ =	swait.ge [sflag:s22], s20  }
0x9f: {  	s3 =	ssub.s32 $0x0, s20;
	[sflag:s22] =	ssyncset.done $0x0  }
0xa0: {  	[sflag:s22] =	ssyncadd.s32 s3;
	_ =	sdelay $0x1  }
0xa1: {  	s23 =	simm.s32 $0x1B8B  }
0xa2: {  	_ =	swait.ge [sflag:s23], $0x1  }
0xa3: {  	[sflag:s23] =	ssyncset.done $0x0  }
0xa4: {  	s25 =	simm.s32 $0x1B8E;
	s24 =	sld [smem:$0x3FFE];
	[sflag:s23] =	ssyncadd.s32 $0xFFFFFFFF  }
0xa5: {  	s26 =	simm.s32 $execute0_lowered;
	[smem:$0x3FD2] =	sst s25  }
0xa6: {  	s4 =	sshll.u32 s26, $0x1;
	_ =	strace $0x80000049;
	[dreg:$0x1] =	wrdreg $0xFFFFFFFF  }
0xa7: {  	s28 =	simm.s32 $_size_execute0_lowered;
	s2 =	sadd.s32 s2, s4;
	[dreg:$0x0] =	wrdreg $0x0  }
0xa8: {  	s4 =	sshll.u32 s28, $0x1;
	[dreg:$0x2] =	wrdreg s2  }
0xa9: {  	[dreg:$0x3] =	wrdreg s4  }
0xaa: {  	[dreg:$0x4] =	wrdreg $0xC0  }
0xab: {  	_ =	task [dreg:s6], $0x5FFFF  }
0xac: {  	[dreg:$0x1] =	wrdreg $0xFFFFFFFF  }
0xad: {  	[dreg:$0x0] =	wrdreg $0x60  }
0xae: {  	[dreg:$0x2] =	wrdreg s24  }
0xaf: {  	[dreg:$0x3] =	wrdreg $0x29400  }
0xb0: {  	[dreg:$0x4] =	wrdreg $0x9  }
0xb1: {  	_ =	task.clear_ibuf [dreg:s6], $0x5FFFF;
	_ =	strace $0x90000049  }
0xb2: {  	s29 =	simm.s32 $0x9;
	_ =	strace $0x8000004B  }
0xb3: {  	_ =	swait.ge [sflag:s29], $0x1  }
0xb4: {  	[sflag:s29] =	ssyncadd.s32 $0xFFFFFFFF  }
0xb5: {  	_ =	strace $0x9000004B  }
0xb6: {  	_ =	sfence  }
0xb7: {  	s30 =	sld [smem:$0x0];
	_ =	sdelay $0x2  }
0xb8: {  	s31 =	sshll.u32 s1, $0xD;
	s1 =	sshrl.u32 s1, $0x2  }
0xb9: {  	s3 =	sand.u32 $0x4000, s31;
	s1 =	sadd.s32 s1, s30  }
0xba: {  	s0 =	sor.u32 s3, s0;
	s1 =	sshll.u32 s1, $0x11  }
0xbb: {  	s0 =	sor.u32 s1, s0  }
0xbc: {  	s0 =	sadd.s32 $0x8F2B, s0  }
0xbd: {  	[sflag:s0] =	ssyncadd.remote.s32 $0x1  }
0xbe: {  	_ =	sfence.sel $0xFFFF  }
0xbf: {  	[dreg:$0x0] =	wrdreg $0xFFFFFFFF;
	(pc) =	sbr.abs _section_cstart, $3  }
0xc0: {  	[dreg:$0x1] =	wrdreg $0xFFFFFFFF  }
0xc1: {  	_ =	task.clear_ibuf [dreg:s6], $0x2FFFF;
	_ =	strace $0x9FFFFFFF  }
0xc2: {  	(tm) =	ssettm $0x7FFFFFFF  }
0xc3: {  	_ =	shalt  }
tec
execute0_lowered:
.L_overlay_start_1:
0x0: {  	(tag) =	ssettag $0x1  }
0x1: {  	s10 =	stileid.u32;
	s1 =	rddreg [dreg:$0x0]  }
0x2: {  	s0 =	srdreg.scid;
	s2 =	rddreg [dreg:$0x1];
	s3 =	simm.s32 $0x0  }
0x3: {  	s12 =	simm.s32 $0x68;
	s14 =	simm.s32 $0xD0;
	s15 =	simm.s32 $0x138  }
0x4: {  	s16 =	simm.s32 $0x1A0;
	s17 =	simm.s32 $0x888;
	[smem:$0x7FF] =	sst s3  }
0x5: {  	s18 =	simm.s32 $0x208;
	_ =	strace $0x8000004A;
	[dreg:$0x5] =	wrdreg s12  }
0x6: {  	s20 =	simm.s32 $0x8F0;
	s21 =	simm.s32 $0x270;
	[dreg:$0x6] =	wrdreg s14  }
0x7: {  	s23 =	simm.s32 $0x958;
	s25 =	simm.s32 $0x2D8;
	[dreg:$0x7] =	wrdreg s15  }
0x8: {  	s28 =	simm.s32 $0x750;
	s29 =	simm.s32 $0xE38;
	[dreg:$0x8] =	wrdreg s16  }
0x9: {  	s30 =	simm.s32 $0x7B8;
	s31 =	simm.s32 $0xEA0;
	[dreg:$0x9] =	wrdreg s17  }
0xa: {  	s0 =	sand.u32 $0x1, s0;
	s4 =	smul.u32 $0x5140, s10;
	[dreg:$0xa] =	wrdreg s18  }
0xb: {  	s6 =	sadd.s32 $0x2200, s1;
	s7 =	smul.u32 $0x2800, s10;
	[dreg:$0xb] =	wrdreg s20  }
0xc: {  	s11 =	smul.u32 $0x500, s10;
	s26 =	sshll.u32 s10, $0x6;
	[dreg:$0xc] =	wrdreg s21  }
0xd: {  	s10 =	simm.s32 $0xA28;
	s5 =	smul.u32 $0x28A0, s0;
	[dreg:$0xd] =	wrdreg s23  }
0xe: {  	s13 =	smul.u32 $0x5000, s0;
	s0 =	ssub.s32 $0x2, s0;
	[dreg:$0xe] =	wrdreg s25  }
0xf: {  	[dreg:$0x11] =	wrdreg s10;
	s12 =	simm.s32 $0xA90;
	s10 =	simm.s32 $0x9  }
0x10: {  	s14 =	simm.s32 $0xAF8;
	s15 =	simm.s32 $0x478;
	s16 =	simm.s32 $0xB60  }
0x11: {  	s17 =	simm.s32 $0x4E0;
	s18 =	simm.s32 $0xBC8;
	[dreg:$0x13] =	wrdreg s12  }
0x12: {  	s20 =	simm.s32 $0xC30;
	s21 =	simm.s32 $0x5B0;
	[dreg:$0x15] =	wrdreg s14  }
0x13: {  	s23 =	simm.s32 $0x618;
	s25 =	simm.s32 $0x680;
	[dreg:$0x16] =	wrdreg s15  }
0x14: {  	s9 =	sshrl.u32 s7, $0x3;
	s19 =	sshrl.u32 s0, $0x1;
	[dreg:$0x17] =	wrdreg s16  }
0x15: {  	s22 =	sadd.s32 s7, s2;
	s7 =	sor.u32 $0x1C09, s26;
	[dreg:$0x18] =	wrdreg s17  }
0x16: {  	s12 =	simm.s32 $0x64;
	s14 =	simm.s32 $0x1680;
	[dreg:$0x19] =	wrdreg s18  }
0x17: {  	s15 =	simm.s32 $0x1CC0;
	s16 =	simm.s32 $0x2300;
	[dreg:$0x1b] =	wrdreg s20  }
0x18: {  	s17 =	simm.s32 $0x1;
	s18 =	simm.s32 $0x5;
	[dreg:$0x1c] =	wrdreg s21  }
0x19: {  	s20 =	simm.s32 $0x6;
	s21 =	simm.s32 $0x3;
	[dreg:$0x1e] =	wrdreg s23  }
0x1a: {  	s23 =	simm.s32 $0x4;
	[smem:$0x7FA] =	sst s25;
	s26 =	simm.s32 $0xD68  }
0x1b: {  	s25 =	simm.s32 $0x6E8;
	s5 =	sadd.s32 s5, s4;
	s9 =	sadd.s32 s9, s1  }
0x1c: {  	s0 =	ssub.s32 s0, s19;
	s19 =	simm.s32 $0x548;
	[smem:$0x7FB] =	sst s26  }
0x1d: {  	s26 =	simm.s32 $0xDD0;
	[smem:$0x7FC] =	sst s7;
	s4 =	sadd.s32 $0x51400, s5  }
0x1e: {  	s5 =	sshrl.u32 s5, $0x3;
	s24 =	sadd.s32 $0x1B800, s9;
	[dreg:$0x1a] =	wrdreg s19  }
0x1f: {  	s9 =	simm.s32 $0x340;
	s0 =	smax.u32 s0, $0x1;
	[smem:$0x7F7] =	sst s24  }
0x20: {  	s19 =	simm.s32 $0x2;
	s8 =	sshrl.u32 s4, $0x3;
	[dreg:$0x10] =	wrdreg s9  }
0x21: {  	s4 =	sadd.s32 $0x16800, s1;
	s5 =	sadd.s32 s5, s6;
	[smem:$0x7F9] =	sst s0  }
0x22: {  	s24 =	simm.s32 $0xD00;
	s0 =	simm.s32 $0xF70;
	[dreg:$0x4] =	wrdreg s5  }
0x23: {  	s9 =	simm.s32 $0x0;
	s8 =	sadd.s32 s8, s6;
	[dreg:$0x1f] =	wrdreg s24  }
0x24: {  	s6 =	sadd.s32 s11, s13;
	s11 =	simm.s32 $0x3A8;
	[dreg:$0x3] =	wrdreg s8  }
0x25: {  	s13 =	simm.s32 $0x410;
	s24 =	simm.s32 $0x8;
	[dreg:$0x12] =	wrdreg s11  }
0x26: {  	s1 =	sadd.s32 s6, s1;
	s8 =	simm.s32 $0x9C0;
	[dreg:$0x14] =	wrdreg s13  }
0x27: {  	s5 =	simm.s32 $0xFD8;
	[dreg:$0xf] =	wrdreg s8;
	s1 =	sadd.s32 $0x20800, s1  }
0x28: {  	s8 =	sshrl.u32 s22, $0x3;
	s22 =	simm.s32 $0xC98;
	[smem:$0x7F8] =	sst s1  }
0x29: {  	s11 =	simm.s32 $0x820;
	s13 =	simm.s32 $0x1040;
	[dreg:$0x1d] =	wrdreg s22  }
0x2a: {  	s22 =	simm.s32 $0x7;
	s1 =	simm.s32 $0xF08;
	[smem:$0x7FD] =	sst s8  }
.LBB2_1:
0x2b: {  	s6 =	sld [smem:$0x7F7];
	_ =	sdelay $0x1  }
0x2c: {  	[smem:$0x7F6] =	sst s9  }
0x2d: {  	[spmem:s8], [sflag:s7] =	dma.local [hbm:s6], $0x500  }
0x2e: {  	_ =	swait.ge [sflag:s10], $0x500  }
0x2f: {  	[sflag:s10] =	ssyncset.done $0x0  }
0x30: {  	[sflag:s10] =	ssyncadd.s32 $0xFFFFFB00  }
0x31: {  	[bflag:$0x0] =	sbarrier.arrive $0xFFFF  }
0x32: {  	s9 =	rddreg [dreg:$0x4]  }
0x33: {  	s6 =	sadd.s32 $0x0, s9  }
0x34: {  	[tilespmem:s3], [sflag:$0x9] =	stream.linear.gather [hbm4b:s6+s3], $0x820, $0x38;
	[tilespmem:$0x5140] =	vst v63  }
0x35: {  	_ =	swait.ge [sflag:s10], $0x820  }
0x36: {  	s7 =	rddreg [dreg:$0x3];
	[sflag:s10] =	ssyncset.done $0x0  }
0x37: {  	[sflag:s10] =	ssyncadd.s32 $0xFFFFF7E0;
	s6 =	sadd.s32 $0x0, s7  }
0x38: {  	[tilespmem:s11], [sflag:$0x9] =	stream.linear.gather [hbm4b:s6+s3], $0x820, $0x38;
	[tilespmem:$0x5140] =	vst v63  }
0x39: {  	_ =	swait.ge [sflag:s10], $0x820  }
0x3a: {  	[sflag:s10] =	ssyncset.done $0x0  }
0x3b: {  	[sflag:s10] =	ssyncadd.s32 $0xFFFFF7E0  }
0x3c: {  	[tilespmem:s13], [sflag:$0x1] =	stream.indirect.gather [hbm4b:s4+s12], $0x10, s3, s12, $0xb8;
	[tilespmem:$0x5140] =	vst v63  }
0x3d: {  	s8 =	rddreg [dreg:$0x5]  }
0x3e: {  	[tilespmem:s14], [sflag:$0x2] =	stream.indirect.gather [hbm4b:s4+s12], $0x10, s8, s12, $0xb8;
	[tilespmem:$0x5140] =	vst v63  }
0x3f: {  	s9 =	rddreg [dreg:$0x6]  }
0x40: {  	[tilespmem:s15], [sflag:$0x3] =	stream.indirect.gather [hbm4b:s4+s12], $0x10, s9, s12, $0xb8;
	[tilespmem:$0x5140] =	vst v63  }
0x41: {  	s7 =	rddreg [dreg:$0x7]  }
0x42: {  	[tilespmem:s16], [sflag:$0x4] =	stream.indirect.gather [hbm4b:s4+s12], $0x10, s7, s12, $0xb8;
	[tilespmem:$0x5140] =	vst v63  }
0x43: {  	_ =	swait.ge [sflag:s17], $0x640  }
0x44: {  	[sflag:s17] =	ssyncset.done $0x0  }
0x45: {  	[sflag:s17] =	ssyncadd.s32 $0xFFFFF9C0  }
0x46: {  	[spmem:s2] =	stream.indirect.scatter.add.f32 [tilespmem:s13], [sflag:$0x5], $0x10, s11, s12, $0xb8;
	[tilespmem:$0x5140] =	vst v63  }
0x47: {  	_ =	swait.ge [sflag:s18], $0x640  }
0x48: {  	[sflag:s18] =	ssyncset.done $0x0  }
0x49: {  	s8 =	rddreg [dreg:$0x8];
	[sflag:s18] =	ssyncadd.s32 $0xFFFFF9C0  }
0x4a: {  	[tilespmem:s13], [sflag:$0x1] =	stream.indirect.gather [hbm4b:s4+s12], $0x10, s8, s12, $0xb8;
	[tilespmem:$0x5140] =	vst v63  }
0x4b: {  	_ =	swait.ge [sflag:s19], $0x640  }
0x4c: {  	[sflag:s19] =	ssyncset.done $0x0  }
0x4d: {  	s9 =	rddreg [dreg:$0x9];
	[sflag:s19] =	ssyncadd.s32 $0xFFFFF9C0  }
0x4e: {  	[spmem:s2] =	stream.indirect.scatter.add.f32 [tilespmem:s14], [sflag:$0x6], $0x10, s9, s12, $0xb8;
	[tilespmem:$0x5140] =	vst v63  }
0x4f: {  	_ =	swait.ge [sflag:s20], $0x640  }
0x50: {  	[sflag:s20] =	ssyncset.done $0x0  }
0x51: {  	s7 =	rddreg [dreg:$0xa];
	[sflag:s20] =	ssyncadd.s32 $0xFFFFF9C0  }
0x52: {  	[tilespmem:s14], [sflag:$0x2] =	stream.indirect.gather [hbm4b:s4+s12], $0x10, s7, s12, $0xb8;
	[tilespmem:$0x5140] =	vst v63  }
0x53: {  	_ =	swait.ge [sflag:s21], $0x640  }
0x54: {  	[sflag:s21] =	ssyncset.done $0x0  }
0x55: {  	s8 =	rddreg [dreg:$0xb];
	[sflag:s21] =	ssyncadd.s32 $0xFFFFF9C0  }
0x56: {  	[spmem:s2] =	stream.indirect.scatter.add.f32 [tilespmem:s15], [sflag:$0x7], $0x10, s8, s12, $0xb8;
	[tilespmem:$0x5140] =	vst v63  }
0x57: {  	_ =	swait.ge [sflag:s22], $0x640  }
0x58: {  	[sflag:s22] =	ssyncset.done $0x0  }
0x59: {  	s9 =	rddreg [dreg:$0xc];
	[sflag:s22] =	ssyncadd.s32 $0xFFFFF9C0  }
0x5a: {  	[tilespmem:s15], [sflag:$0x3] =	stream.indirect.gather [hbm4b:s4+s12], $0x10, s9, s12, $0xb8;
	[tilespmem:$0x5140] =	vst v63  }
0x5b: {  	_ =	swait.ge [sflag:s23], $0x640  }
0x5c: {  	[sflag:s23] =	ssyncset.done $0x0  }
0x5d: {  	s7 =	rddreg [dreg:$0xd];
	[sflag:s23] =	ssyncadd.s32 $0xFFFFF9C0  }
0x5e: {  	[spmem:s2] =	stream.indirect.scatter.add.f32 [tilespmem:s16], [sflag:$0x8], $0x10, s7, s12, $0xb8;
	[tilespmem:$0x5140] =	vst v63  }
0x5f: {  	_ =	swait.ge [sflag:s24], $0x640  }
0x60: {  	[sflag:s24] =	ssyncset.done $0x0  }
0x61: {  	s8 =	rddreg [dreg:$0xe];
	[sflag:s24] =	ssyncadd.s32 $0xFFFFF9C0  }
0x62: {  	[tilespmem:s16], [sflag:$0x4] =	stream.indirect.gather [hbm4b:s4+s12], $0x10, s8, s12, $0xb8;
	[tilespmem:$0x5140] =	vst v63  }
0x63: {  	_ =	swait.ge [sflag:s17], $0x640  }
0x64: {  	[sflag:s17] =	ssyncset.done $0x0  }
0x65: {  	s9 =	rddreg [dreg:$0xf];
	[sflag:s17] =	ssyncadd.s32 $0xFFFFF9C0  }
0x66: {  	[spmem:s2] =	stream.indirect.scatter.add.f32 [tilespmem:s13], [sflag:$0x5], $0x10, s9, s12, $0xb8;
	[tilespmem:$0x5140] =	vst v63  }
0x67: {  	_ =	swait.ge [sflag:s18], $0x640  }
0x68: {  	[sflag:s18] =	ssyncset.done $0x0  }
0x69: {  	s7 =	rddreg [dreg:$0x10];
	[sflag:s18] =	ssyncadd.s32 $0xFFFFF9C0  }
0x6a: {  	[tilespmem:s13], [sflag:$0x1] =	stream.indirect.gather [hbm4b:s4+s12], $0x10, s7, s12, $0xb8;
	[tilespmem:$0x5140] =	vst v63  }
0x6b: {  	_ =	swait.ge [sflag:s19], $0x640  }
0x6c: {  	[sflag:s19] =	ssyncset.done $0x0  }
0x6d: {  	s8 =	rddreg [dreg:$0x11];
	[sflag:s19] =	ssyncadd.s32 $0xFFFFF9C0  }
0x6e: {  	[spmem:s2] =	stream.indirect.scatter.add.f32 [tilespmem:s14], [sflag:$0x6], $0x10, s8, s12, $0xb8;
	[tilespmem:$0x5140] =	vst v63  }
0x6f: {  	_ =	swait.ge [sflag:s20], $0x640  }
0x70: {  	[sflag:s20] =	ssyncset.done $0x0  }
0x71: {  	s9 =	rddreg [dreg:$0x12];
	[sflag:s20] =	ssyncadd.s32 $0xFFFFF9C0  }
0x72: {  	[tilespmem:s14], [sflag:$0x2] =	stream.indirect.gather [hbm4b:s4+s12], $0x10, s9, s12, $0xb8;
	[tilespmem:$0x5140] =	vst v63  }
0x73: {  	_ =	swait.ge [sflag:s21], $0x640  }
0x74: {  	[sflag:s21] =	ssyncset.done $0x0  }
0x75: {  	s7 =	rddreg [dreg:$0x13];
	[sflag:s21] =	ssyncadd.s32 $0xFFFFF9C0  }
0x76: {  	[spmem:s2] =	stream.indirect.scatter.add.f32 [tilespmem:s15], [sflag:$0x7], $0x10, s7, s12, $0xb8;
	[tilespmem:$0x5140] =	vst v63  }
0x77: {  	_ =	swait.ge [sflag:s22], $0x640  }
0x78: {  	[sflag:s22] =	ssyncset.done $0x0  }
0x79: {  	s8 =	rddreg [dreg:$0x14];
	[sflag:s22] =	ssyncadd.s32 $0xFFFFF9C0  }
0x7a: {  	[tilespmem:s15], [sflag:$0x3] =	stream.indirect.gather [hbm4b:s4+s12], $0x10, s8, s12, $0xb8;
	[tilespmem:$0x5140] =	vst v63  }
0x7b: {  	_ =	swait.ge [sflag:s23], $0x640  }
0x7c: {  	[sflag:s23] =	ssyncset.done $0x0  }
0x7d: {  	s9 =	rddreg [dreg:$0x15];
	[sflag:s23] =	ssyncadd.s32 $0xFFFFF9C0  }
0x7e: {  	[spmem:s2] =	stream.indirect.scatter.add.f32 [tilespmem:s16], [sflag:$0x8], $0x10, s9, s12, $0xb8;
	[tilespmem:$0x5140] =	vst v63  }
0x7f: {  	_ =	swait.ge [sflag:s24], $0x640  }
0x80: {  	[sflag:s24] =	ssyncset.done $0x0  }
0x81: {  	s7 =	rddreg [dreg:$0x16];
	[sflag:s24] =	ssyncadd.s32 $0xFFFFF9C0  }
0x82: {  	[tilespmem:s16], [sflag:$0x4] =	stream.indirect.gather [hbm4b:s4+s12], $0x10, s7, s12, $0xb8;
	[tilespmem:$0x5140] =	vst v63  }
0x83: {  	_ =	swait.ge [sflag:s17], $0x640  }
0x84: {  	[sflag:s17] =	ssyncset.done $0x0  }
0x85: {  	s8 =	rddreg [dreg:$0x17];
	[sflag:s17] =	ssyncadd.s32 $0xFFFFF9C0  }
0x86: {  	[spmem:s2] =	stream.indirect.scatter.add.f32 [tilespmem:s13], [sflag:$0x5], $0x10, s8, s12, $0xb8;
	[tilespmem:$0x5140] =	vst v63  }
0x87: {  	_ =	swait.ge [sflag:s18], $0x640  }
0x88: {  	[sflag:s18] =	ssyncset.done $0x0  }
0x89: {  	s9 =	rddreg [dreg:$0x18];
	[sflag:s18] =	ssyncadd.s32 $0xFFFFF9C0  }
0x8a: {  	[tilespmem:s13], [sflag:$0x1] =	stream.indirect.gather [hbm4b:s4+s12], $0x10, s9, s12, $0xb8;
	[tilespmem:$0x5140] =	vst v63  }
0x8b: {  	_ =	swait.ge [sflag:s19], $0x640  }
0x8c: {  	[sflag:s19] =	ssyncset.done $0x0  }
0x8d: {  	s7 =	rddreg [dreg:$0x19];
	[sflag:s19] =	ssyncadd.s32 $0xFFFFF9C0  }
0x8e: {  	[spmem:s2] =	stream.indirect.scatter.add.f32 [tilespmem:s14], [sflag:$0x6], $0x10, s7, s12, $0xb8;
	[tilespmem:$0x5140] =	vst v63  }
0x8f: {  	_ =	swait.ge [sflag:s20], $0x640  }
0x90: {  	[sflag:s20] =	ssyncset.done $0x0  }
0x91: {  	s8 =	rddreg [dreg:$0x1a];
	[sflag:s20] =	ssyncadd.s32 $0xFFFFF9C0  }
0x92: {  	[tilespmem:s14], [sflag:$0x2] =	stream.indirect.gather [hbm4b:s4+s12], $0x10, s8, s12, $0xb8;
	[tilespmem:$0x5140] =	vst v63  }
0x93: {  	_ =	swait.ge [sflag:s21], $0x640  }
0x94: {  	[sflag:s21] =	ssyncset.done $0x0  }
0x95: {  	s9 =	rddreg [dreg:$0x1b];
	[sflag:s21] =	ssyncadd.s32 $0xFFFFF9C0  }
0x96: {  	[spmem:s2] =	stream.indirect.scatter.add.f32 [tilespmem:s15], [sflag:$0x7], $0x10, s9, s12, $0xb8;
	[tilespmem:$0x5140] =	vst v63  }
0x97: {  	_ =	swait.ge [sflag:s22], $0x640  }
0x98: {  	[sflag:s22] =	ssyncset.done $0x0  }
0x99: {  	s7 =	rddreg [dreg:$0x1c];
	[sflag:s22] =	ssyncadd.s32 $0xFFFFF9C0  }
0x9a: {  	[tilespmem:s15], [sflag:$0x3] =	stream.indirect.gather [hbm4b:s4+s12], $0x10, s7, s12, $0xb8;
	[tilespmem:$0x5140] =	vst v63  }
0x9b: {  	_ =	swait.ge [sflag:s23], $0x640  }
0x9c: {  	[sflag:s23] =	ssyncset.done $0x0  }
0x9d: {  	s8 =	rddreg [dreg:$0x1d];
	[sflag:s23] =	ssyncadd.s32 $0xFFFFF9C0  }
0x9e: {  	[spmem:s2] =	stream.indirect.scatter.add.f32 [tilespmem:s16], [sflag:$0x8], $0x10, s8, s12, $0xb8;
	[tilespmem:$0x5140] =	vst v63  }
0x9f: {  	_ =	swait.ge [sflag:s24], $0x640  }
0xa0: {  	[sflag:s24] =	ssyncset.done $0x0  }
0xa1: {  	s9 =	rddreg [dreg:$0x1e];
	[sflag:s24] =	ssyncadd.s32 $0xFFFFF9C0  }
0xa2: {  	[tilespmem:s16], [sflag:$0x4] =	stream.indirect.gather [hbm4b:s4+s12], $0x10, s9, s12, $0xb8;
	[tilespmem:$0x5140] =	vst v63  }
0xa3: {  	_ =	swait.ge [sflag:s17], $0x640  }
0xa4: {  	[sflag:s17] =	ssyncset.done $0x0  }
0xa5: {  	s7 =	rddreg [dreg:$0x1f];
	[sflag:s17] =	ssyncadd.s32 $0xFFFFF9C0  }
0xa6: {  	[spmem:s2] =	stream.indirect.scatter.add.f32 [tilespmem:s13], [sflag:$0x5], $0x10, s7, s12, $0xb8;
	[tilespmem:$0x5140] =	vst v63  }
0xa7: {  	_ =	swait.ge [sflag:s18], $0x640  }
0xa8: {  	s8 =	sld [smem:$0x7FA]  }
0xa9: {  	[sflag:s18] =	ssyncset.done $0x0  }
0xaa: {  	[sflag:s18] =	ssyncadd.s32 $0xFFFFF9C0  }
0xab: {  	[tilespmem:s13], [sflag:$0x1] =	stream.indirect.gather [hbm4b:s4+s12], $0x10, s8, s12, $0xb8;
	[tilespmem:$0x5140] =	vst v63  }
0xac: {  	_ =	swait.ge [sflag:s19], $0x640  }
0xad: {  	s9 =	sld [smem:$0x7FB]  }
0xae: {  	[sflag:s19] =	ssyncset.done $0x0  }
0xaf: {  	[sflag:s19] =	ssyncadd.s32 $0xFFFFF9C0  }
0xb0: {  	[spmem:s2] =	stream.indirect.scatter.add.f32 [tilespmem:s14], [sflag:$0x6], $0x10, s9, s12, $0xb8;
	[tilespmem:$0x5140] =	vst v63  }
0xb1: {  	_ =	swait.ge [sflag:s20], $0x640  }
0xb2: {  	[sflag:s20] =	ssyncset.done $0x0  }
0xb3: {  	[sflag:s20] =	ssyncadd.s32 $0xFFFFF9C0  }
0xb4: {  	[tilespmem:s14], [sflag:$0x2] =	stream.indirect.gather [hbm4b:s4+s12], $0x10, s25, s12, $0xb8;
	[tilespmem:$0x5140] =	vst v63  }
0xb5: {  	_ =	swait.ge [sflag:s21], $0x640  }
0xb6: {  	[sflag:s21] =	ssyncset.done $0x0  }
0xb7: {  	[sflag:s21] =	ssyncadd.s32 $0xFFFFF9C0  }
0xb8: {  	[spmem:s2] =	stream.indirect.scatter.add.f32 [tilespmem:s15], [sflag:$0x7], $0x10, s26, s12, $0xb8;
	[tilespmem:$0x5140] =	vst v63  }
0xb9: {  	_ =	swait.ge [sflag:s22], $0x640  }
0xba: {  	[sflag:s22] =	ssyncset.done $0x0  }
0xbb: {  	[sflag:s22] =	ssyncadd.s32 $0xFFFFF9C0  }
0xbc: {  	[tilespmem:s15], [sflag:$0x3] =	stream.indirect.gather [hbm4b:s4+s12], $0x10, s28, s12, $0xb8;
	[tilespmem:$0x5140] =	vst v63  }
0xbd: {  	_ =	swait.ge [sflag:s23], $0x640  }
0xbe: {  	[sflag:s23] =	ssyncset.done $0x0  }
0xbf: {  	[sflag:s23] =	ssyncadd.s32 $0xFFFFF9C0  }
0xc0: {  	[spmem:s2] =	stream.indirect.scatter.add.f32 [tilespmem:s16], [sflag:$0x8], $0x10, s29, s12, $0xb8;
	[tilespmem:$0x5140] =	vst v63  }
0xc1: {  	_ =	swait.ge [sflag:s24], $0x640  }
0xc2: {  	[sflag:s24] =	ssyncset.done $0x0  }
0xc3: {  	[sflag:s24] =	ssyncadd.s32 $0xFFFFF9C0  }
0xc4: {  	[tilespmem:s16], [sflag:$0x4] =	stream.indirect.gather [hbm4b:s4+s12], $0x10, s30, s12, $0xb8;
	[tilespmem:$0x5140] =	vst v63  }
0xc5: {  	_ =	swait.ge [sflag:s17], $0x640  }
0xc6: {  	[sflag:s17] =	ssyncset.done $0x0  }
0xc7: {  	[sflag:s17] =	ssyncadd.s32 $0xFFFFF9C0  }
0xc8: {  	[spmem:s2] =	stream.indirect.scatter.add.f32 [tilespmem:s13], [sflag:$0x5], $0x10, s31, s12, $0xb8;
	[tilespmem:$0x5140] =	vst v63  }
0xc9: {  	_ =	swait.ge [sflag:s19], $0x640  }
0xca: {  	[sflag:s19] =	ssyncset.done $0x0  }
0xcb: {  	[sflag:s19] =	ssyncadd.s32 $0xFFFFF9C0  }
0xcc: {  	[spmem:s2] =	stream.indirect.scatter.add.f32 [tilespmem:s14], [sflag:$0x6], $0x10, s1, s12, $0xb8;
	[tilespmem:$0x5140] =	vst v63  }
0xcd: {  	_ =	swait.ge [sflag:s21], $0x640  }
0xce: {  	[sflag:s21] =	ssyncset.done $0x0  }
0xcf: {  	[sflag:s21] =	ssyncadd.s32 $0xFFFFF9C0  }
0xd0: {  	[spmem:s2] =	stream.indirect.scatter.add.f32 [tilespmem:s15], [sflag:$0x7], $0x10, s0, s12, $0xb8;
	[tilespmem:$0x5140] =	vst v63  }
0xd1: {  	_ =	swait.ge [sflag:s23], $0x640  }
0xd2: {  	[sflag:s23] =	ssyncset.done $0x0  }
0xd3: {  	[sflag:s23] =	ssyncadd.s32 $0xFFFFF9C0  }
0xd4: {  	[spmem:s2] =	stream.indirect.scatter.add.f32 [tilespmem:s16], [sflag:$0x8], $0x10, s5, s12, $0xb8;
	[tilespmem:$0x5140] =	vst v63  }
0xd5: {  	_ =	swait.ge [sflag:s18], $0x640  }
0xd6: {  	[sflag:s18] =	ssyncset.done $0x0  }
0xd7: {  	[sflag:s18] =	ssyncadd.s32 $0xFFFFF9C0  }
0xd8: {  	_ =	swait.ge [sflag:s20], $0x640  }
0xd9: {  	[sflag:s20] =	ssyncset.done $0x0  }
0xda: {  	[sflag:s20] =	ssyncadd.s32 $0xFFFFF9C0  }
0xdb: {  	_ =	swait.ge [sflag:s22], $0x640  }
0xdc: {  	[sflag:s22] =	ssyncset.done $0x0  }
0xdd: {  	[sflag:s22] =	ssyncadd.s32 $0xFFFFF9C0  }
0xde: {  	s6 =	simm.s32 $0x208;
	_ =	swait.ge [sflag:s24], $0x640  }
0xdf: {  	s8 =	simm.s32 $0x104;
	s9 =	rddreg [dreg:$0x4];
	[sflag:s24] =	ssyncset.done $0x0  }
.LBB2_2:
0xe0: {  	[sflag:s24] =	ssyncadd.s32 $0xFFFFF9C0;
	s9 =	sadd.s32 s8, s9  }
0xe1: {  	[tilespmem:s3], [sflag:$0x9] =	stream.linear.gather [hbm4b:s9+s3], $0x820, $0x38;
	[tilespmem:$0x5140] =	vst v63  }
0xe2: {  	_ =	swait.ge [sflag:s10], $0x820  }
0xe3: {  	s9 =	rddreg [dreg:$0x3];
	[sflag:s10] =	ssyncset.done $0x0  }
0xe4: {  	[sflag:s10] =	ssyncadd.s32 $0xFFFFF7E0;
	s9 =	sadd.s32 s8, s9  }
0xe5: {  	[tilespmem:s11], [sflag:$0x9] =	stream.linear.gather [hbm4b:s9+s3], $0x820, $0x38;
	[tilespmem:$0x5140] =	vst v63  }
0xe6: {  	_ =	swait.ge [sflag:s10], $0x820  }
0xe7: {  	[sflag:s10] =	ssyncset.done $0x0  }
0xe8: {  	s7 =	smov.u32 s6;
	[sflag:s10] =	ssyncadd.s32 $0xFFFFF7E0  }
0xe9: {  	[tilespmem:s13], [sflag:$0x1] =	stream.indirect.gather [hbm4b:s4+s12], $0x10, s3, s12, $0xb8;
	[tilespmem:$0x5140] =	vst v63  }
0xea: {  	s8 =	smov.u32 s7;
	s7 =	rddreg [dreg:$0x5]  }
0xeb: {  	[tilespmem:s14], [sflag:$0x2] =	stream.indirect.gather [hbm4b:s4+s12], $0x10, s7, s12, $0xb8;
	[tilespmem:$0x5140] =	vst v63  }
0xec: {  	s9 =	rddreg [dreg:$0x6]  }
0xed: {  	[tilespmem:s15], [sflag:$0x3] =	stream.indirect.gather [hbm4b:s4+s12], $0x10, s9, s12, $0xb8;
	[tilespmem:$0x5140] =	vst v63  }
0xee: {  	s7 =	rddreg [dreg:$0x7]  }
0xef: {  	[tilespmem:s16], [sflag:$0x4] =	stream.indirect.gather [hbm4b:s4+s12], $0x10, s7, s12, $0xb8;
	[tilespmem:$0x5140] =	vst v63  }
0xf0: {  	_ =	swait.ge [sflag:s17], $0x640  }
0xf1: {  	[sflag:s17] =	ssyncset.done $0x0  }
0xf2: {  	[sflag:s17] =	ssyncadd.s32 $0xFFFFF9C0  }
0xf3: {  	[spmem:s2] =	stream.indirect.scatter.add.f32 [tilespmem:s13], [sflag:$0x5], $0x10, s11, s12, $0xb8;
	[tilespmem:$0x5140] =	vst v63  }
0xf4: {  	_ =	swait.ge [sflag:s18], $0x640  }
0xf5: {  	[sflag:s18] =	ssyncset.done $0x0  }
0xf6: {  	s9 =	rddreg [dreg:$0x8];
	[sflag:s18] =	ssyncadd.s32 $0xFFFFF9C0  }
0xf7: {  	[tilespmem:s13], [sflag:$0x1] =	stream.indirect.gather [hbm4b:s4+s12], $0x10, s9, s12, $0xb8;
	[tilespmem:$0x5140] =	vst v63  }
0xf8: {  	_ =	swait.ge [sflag:s19], $0x640  }
0xf9: {  	[sflag:s19] =	ssyncset.done $0x0  }
0xfa: {  	s9 =	rddreg [dreg:$0x9];
	[sflag:s19] =	ssyncadd.s32 $0xFFFFF9C0  }
0xfb: {  	[spmem:s2] =	stream.indirect.scatter.add.f32 [tilespmem:s14], [sflag:$0x6], $0x10, s9, s12, $0xb8;
	[tilespmem:$0x5140] =	vst v63  }
0xfc: {  	_ =	swait.ge [sflag:s20], $0x640  }
0xfd: {  	[sflag:s20] =	ssyncset.done $0x0  }
0xfe: {  	s9 =	rddreg [dreg:$0xa];
	[sflag:s20] =	ssyncadd.s32 $0xFFFFF9C0  }
0xff: {  	[tilespmem:s14], [sflag:$0x2] =	stream.indirect.gather [hbm4b:s4+s12], $0x10, s9, s12, $0xb8;
	[tilespmem:$0x5140] =	vst v63  }
0x100: {  	_ =	swait.ge [sflag:s21], $0x640  }
0x101: {  	[sflag:s21] =	ssyncset.done $0x0  }
0x102: {  	s9 =	rddreg [dreg:$0xb];
	[sflag:s21] =	ssyncadd.s32 $0xFFFFF9C0  }
0x103: {  	[spmem:s2] =	stream.indirect.scatter.add.f32 [tilespmem:s15], [sflag:$0x7], $0x10, s9, s12, $0xb8;
	[tilespmem:$0x5140] =	vst v63  }
0x104: {  	_ =	swait.ge [sflag:s22], $0x640  }
0x105: {  	[sflag:s22] =	ssyncset.done $0x0  }
0x106: {  	s9 =	rddreg [dreg:$0xc];
	[sflag:s22] =	ssyncadd.s32 $0xFFFFF9C0  }
0x107: {  	[tilespmem:s15], [sflag:$0x3] =	stream.indirect.gather [hbm4b:s4+s12], $0x10, s9, s12, $0xb8;
	[tilespmem:$0x5140] =	vst v63  }
0x108: {  	_ =	swait.ge [sflag:s23], $0x640  }
0x109: {  	[sflag:s23] =	ssyncset.done $0x0  }
0x10a: {  	s9 =	rddreg [dreg:$0xd];
	[sflag:s23] =	ssyncadd.s32 $0xFFFFF9C0  }
0x10b: {  	[spmem:s2] =	stream.indirect.scatter.add.f32 [tilespmem:s16], [sflag:$0x8], $0x10, s9, s12, $0xb8;
	[tilespmem:$0x5140] =	vst v63  }
0x10c: {  	_ =	swait.ge [sflag:s24], $0x640  }
0x10d: {  	[sflag:s24] =	ssyncset.done $0x0  }
0x10e: {  	s9 =	rddreg [dreg:$0xe];
	[sflag:s24] =	ssyncadd.s32 $0xFFFFF9C0  }
0x10f: {  	[tilespmem:s16], [sflag:$0x4] =	stream.indirect.gather [hbm4b:s4+s12], $0x10, s9, s12, $0xb8;
	[tilespmem:$0x5140] =	vst v63  }
0x110: {  	_ =	swait.ge [sflag:s17], $0x640  }
0x111: {  	[sflag:s17] =	ssyncset.done $0x0  }
0x112: {  	s9 =	rddreg [dreg:$0xf];
	[sflag:s17] =	ssyncadd.s32 $0xFFFFF9C0  }
0x113: {  	[spmem:s2] =	stream.indirect.scatter.add.f32 [tilespmem:s13], [sflag:$0x5], $0x10, s9, s12, $0xb8;
	[tilespmem:$0x5140] =	vst v63  }
0x114: {  	_ =	swait.ge [sflag:s18], $0x640  }
0x115: {  	[sflag:s18] =	ssyncset.done $0x0  }
0x116: {  	s9 =	rddreg [dreg:$0x10];
	[sflag:s18] =	ssyncadd.s32 $0xFFFFF9C0  }
0x117: {  	[tilespmem:s13], [sflag:$0x1] =	stream.indirect.gather [hbm4b:s4+s12], $0x10, s9, s12, $0xb8;
	[tilespmem:$0x5140] =	vst v63  }
0x118: {  	_ =	swait.ge [sflag:s19], $0x640  }
0x119: {  	[sflag:s19] =	ssyncset.done $0x0  }
0x11a: {  	s9 =	rddreg [dreg:$0x11];
	[sflag:s19] =	ssyncadd.s32 $0xFFFFF9C0  }
0x11b: {  	[spmem:s2] =	stream.indirect.scatter.add.f32 [tilespmem:s14], [sflag:$0x6], $0x10, s9, s12, $0xb8;
	[tilespmem:$0x5140] =	vst v63  }
0x11c: {  	_ =	swait.ge [sflag:s20], $0x640  }
0x11d: {  	[sflag:s20] =	ssyncset.done $0x0  }
0x11e: {  	s9 =	rddreg [dreg:$0x12];
	[sflag:s20] =	ssyncadd.s32 $0xFFFFF9C0  }
0x11f: {  	[tilespmem:s14], [sflag:$0x2] =	stream.indirect.gather [hbm4b:s4+s12], $0x10, s9, s12, $0xb8;
	[tilespmem:$0x5140] =	vst v63  }
0x120: {  	_ =	swait.ge [sflag:s21], $0x640  }
0x121: {  	[sflag:s21] =	ssyncset.done $0x0  }
0x122: {  	s9 =	rddreg [dreg:$0x13];
	[sflag:s21] =	ssyncadd.s32 $0xFFFFF9C0  }
0x123: {  	[spmem:s2] =	stream.indirect.scatter.add.f32 [tilespmem:s15], [sflag:$0x7], $0x10, s9, s12, $0xb8;
	[tilespmem:$0x5140] =	vst v63  }
0x124: {  	_ =	swait.ge [sflag:s22], $0x640  }
0x125: {  	[sflag:s22] =	ssyncset.done $0x0  }
0x126: {  	s9 =	rddreg [dreg:$0x14];
	[sflag:s22] =	ssyncadd.s32 $0xFFFFF9C0  }
0x127: {  	[tilespmem:s15], [sflag:$0x3] =	stream.indirect.gather [hbm4b:s4+s12], $0x10, s9, s12, $0xb8;
	[tilespmem:$0x5140] =	vst v63  }
0x128: {  	_ =	swait.ge [sflag:s23], $0x640  }
0x129: {  	[sflag:s23] =	ssyncset.done $0x0  }
0x12a: {  	s9 =	rddreg [dreg:$0x15];
	[sflag:s23] =	ssyncadd.s32 $0xFFFFF9C0  }
0x12b: {  	[spmem:s2] =	stream.indirect.scatter.add.f32 [tilespmem:s16], [sflag:$0x8], $0x10, s9, s12, $0xb8;
	[tilespmem:$0x5140] =	vst v63  }
0x12c: {  	_ =	swait.ge [sflag:s24], $0x640  }
0x12d: {  	[sflag:s24] =	ssyncset.done $0x0  }
0x12e: {  	s9 =	rddreg [dreg:$0x16];
	[sflag:s24] =	ssyncadd.s32 $0xFFFFF9C0  }
0x12f: {  	[tilespmem:s16], [sflag:$0x4] =	stream.indirect.gather [hbm4b:s4+s12], $0x10, s9, s12, $0xb8;
	[tilespmem:$0x5140] =	vst v63  }
0x130: {  	_ =	swait.ge [sflag:s17], $0x640  }
0x131: {  	[sflag:s17] =	ssyncset.done $0x0  }
0x132: {  	s9 =	rddreg [dreg:$0x17];
	[sflag:s17] =	ssyncadd.s32 $0xFFFFF9C0  }
0x133: {  	[spmem:s2] =	stream.indirect.scatter.add.f32 [tilespmem:s13], [sflag:$0x5], $0x10, s9, s12, $0xb8;
	[tilespmem:$0x5140] =	vst v63  }
0x134: {  	_ =	swait.ge [sflag:s18], $0x640  }
0x135: {  	[sflag:s18] =	ssyncset.done $0x0  }
0x136: {  	s9 =	rddreg [dreg:$0x18];
	[sflag:s18] =	ssyncadd.s32 $0xFFFFF9C0  }
0x137: {  	[tilespmem:s13], [sflag:$0x1] =	stream.indirect.gather [hbm4b:s4+s12], $0x10, s9, s12, $0xb8;
	[tilespmem:$0x5140] =	vst v63  }
0x138: {  	_ =	swait.ge [sflag:s19], $0x640  }
0x139: {  	[sflag:s19] =	ssyncset.done $0x0  }
0x13a: {  	s9 =	rddreg [dreg:$0x19];
	[sflag:s19] =	ssyncadd.s32 $0xFFFFF9C0  }
0x13b: {  	[spmem:s2] =	stream.indirect.scatter.add.f32 [tilespmem:s14], [sflag:$0x6], $0x10, s9, s12, $0xb8;
	[tilespmem:$0x5140] =	vst v63  }
0x13c: {  	_ =	swait.ge [sflag:s20], $0x640  }
0x13d: {  	[sflag:s20] =	ssyncset.done $0x0  }
0x13e: {  	s9 =	rddreg [dreg:$0x1a];
	[sflag:s20] =	ssyncadd.s32 $0xFFFFF9C0  }
0x13f: {  	[tilespmem:s14], [sflag:$0x2] =	stream.indirect.gather [hbm4b:s4+s12], $0x10, s9, s12, $0xb8;
	[tilespmem:$0x5140] =	vst v63  }
0x140: {  	_ =	swait.ge [sflag:s21], $0x640  }
0x141: {  	[sflag:s21] =	ssyncset.done $0x0  }
0x142: {  	s9 =	rddreg [dreg:$0x1b];
	[sflag:s21] =	ssyncadd.s32 $0xFFFFF9C0  }
0x143: {  	[spmem:s2] =	stream.indirect.scatter.add.f32 [tilespmem:s15], [sflag:$0x7], $0x10, s9, s12, $0xb8;
	[tilespmem:$0x5140] =	vst v63  }
0x144: {  	_ =	swait.ge [sflag:s22], $0x640  }
0x145: {  	[sflag:s22] =	ssyncset.done $0x0  }
0x146: {  	s9 =	rddreg [dreg:$0x1c];
	[sflag:s22] =	ssyncadd.s32 $0xFFFFF9C0  }
0x147: {  	[tilespmem:s15], [sflag:$0x3] =	stream.indirect.gather [hbm4b:s4+s12], $0x10, s9, s12, $0xb8;
	[tilespmem:$0x5140] =	vst v63  }
0x148: {  	_ =	swait.ge [sflag:s23], $0x640  }
0x149: {  	[sflag:s23] =	ssyncset.done $0x0  }
0x14a: {  	s9 =	rddreg [dreg:$0x1d];
	[sflag:s23] =	ssyncadd.s32 $0xFFFFF9C0  }
0x14b: {  	[spmem:s2] =	stream.indirect.scatter.add.f32 [tilespmem:s16], [sflag:$0x8], $0x10, s9, s12, $0xb8;
	[tilespmem:$0x5140] =	vst v63  }
0x14c: {  	_ =	swait.ge [sflag:s24], $0x640  }
0x14d: {  	[sflag:s24] =	ssyncset.done $0x0  }
0x14e: {  	s9 =	rddreg [dreg:$0x1e];
	[sflag:s24] =	ssyncadd.s32 $0xFFFFF9C0  }
0x14f: {  	[tilespmem:s16], [sflag:$0x4] =	stream.indirect.gather [hbm4b:s4+s12], $0x10, s9, s12, $0xb8;
	[tilespmem:$0x5140] =	vst v63  }
0x150: {  	_ =	swait.ge [sflag:s17], $0x640  }
0x151: {  	[sflag:s17] =	ssyncset.done $0x0  }
0x152: {  	s9 =	rddreg [dreg:$0x1f];
	[sflag:s17] =	ssyncadd.s32 $0xFFFFF9C0  }
0x153: {  	[spmem:s2] =	stream.indirect.scatter.add.f32 [tilespmem:s13], [sflag:$0x5], $0x10, s9, s12, $0xb8;
	[tilespmem:$0x5140] =	vst v63  }
0x154: {  	_ =	swait.ge [sflag:s18], $0x640  }
0x155: {  	s9 =	sld [smem:$0x7FA]  }
0x156: {  	[sflag:s18] =	ssyncset.done $0x0  }
0x157: {  	[sflag:s18] =	ssyncadd.s32 $0xFFFFF9C0  }
0x158: {  	[tilespmem:s13], [sflag:$0x1] =	stream.indirect.gather [hbm4b:s4+s12], $0x10, s9, s12, $0xb8;
	[tilespmem:$0x5140] =	vst v63  }
0x159: {  	_ =	swait.ge [sflag:s19], $0x640  }
0x15a: {  	s9 =	sld [smem:$0x7FB]  }
0x15b: {  	[sflag:s19] =	ssyncset.done $0x0  }
0x15c: {  	[sflag:s19] =	ssyncadd.s32 $0xFFFFF9C0  }
0x15d: {  	[spmem:s2] =	stream.indirect.scatter.add.f32 [tilespmem:s14], [sflag:$0x6], $0x10, s9, s12, $0xb8;
	[tilespmem:$0x5140] =	vst v63  }
0x15e: {  	_ =	swait.ge [sflag:s20], $0x640  }
0x15f: {  	[sflag:s20] =	ssyncset.done $0x0  }
0x160: {  	[sflag:s20] =	ssyncadd.s32 $0xFFFFF9C0  }
0x161: {  	[tilespmem:s14], [sflag:$0x2] =	stream.indirect.gather [hbm4b:s4+s12], $0x10, s25, s12, $0xb8;
	[tilespmem:$0x5140] =	vst v63  }
0x162: {  	_ =	swait.ge [sflag:s21], $0x640  }
0x163: {  	[sflag:s21] =	ssyncset.done $0x0  }
0x164: {  	[sflag:s21] =	ssyncadd.s32 $0xFFFFF9C0  }
0x165: {  	[spmem:s2] =	stream.indirect.scatter.add.f32 [tilespmem:s15], [sflag:$0x7], $0x10, s26, s12, $0xb8;
	[tilespmem:$0x5140] =	vst v63  }
0x166: {  	_ =	swait.ge [sflag:s22], $0x640  }
0x167: {  	[sflag:s22] =	ssyncset.done $0x0  }
0x168: {  	[sflag:s22] =	ssyncadd.s32 $0xFFFFF9C0  }
0x169: {  	[tilespmem:s15], [sflag:$0x3] =	stream.indirect.gather [hbm4b:s4+s12], $0x10, s28, s12, $0xb8;
	[tilespmem:$0x5140] =	vst v63  }
0x16a: {  	_ =	swait.ge [sflag:s23], $0x640  }
0x16b: {  	[sflag:s23] =	ssyncset.done $0x0  }
0x16c: {  	[sflag:s23] =	ssyncadd.s32 $0xFFFFF9C0  }
0x16d: {  	[spmem:s2] =	stream.indirect.scatter.add.f32 [tilespmem:s16], [sflag:$0x8], $0x10, s29, s12, $0xb8;
	[tilespmem:$0x5140] =	vst v63  }
0x16e: {  	_ =	swait.ge [sflag:s24], $0x640  }
0x16f: {  	[sflag:s24] =	ssyncset.done $0x0  }
0x170: {  	[sflag:s24] =	ssyncadd.s32 $0xFFFFF9C0  }
0x171: {  	[tilespmem:s16], [sflag:$0x4] =	stream.indirect.gather [hbm4b:s4+s12], $0x10, s30, s12, $0xb8;
	[tilespmem:$0x5140] =	vst v63  }
0x172: {  	_ =	swait.ge [sflag:s17], $0x640  }
0x173: {  	[sflag:s17] =	ssyncset.done $0x0  }
0x174: {  	[sflag:s17] =	ssyncadd.s32 $0xFFFFF9C0  }
0x175: {  	[spmem:s2] =	stream.indirect.scatter.add.f32 [tilespmem:s13], [sflag:$0x5], $0x10, s31, s12, $0xb8;
	[tilespmem:$0x5140] =	vst v63  }
0x176: {  	_ =	swait.ge [sflag:s19], $0x640  }
0x177: {  	[sflag:s19] =	ssyncset.done $0x0  }
0x178: {  	[sflag:s19] =	ssyncadd.s32 $0xFFFFF9C0  }
0x179: {  	[spmem:s2] =	stream.indirect.scatter.add.f32 [tilespmem:s14], [sflag:$0x6], $0x10, s1, s12, $0xb8;
	[tilespmem:$0x5140] =	vst v63  }
0x17a: {  	_ =	swait.ge [sflag:s21], $0x640  }
0x17b: {  	[sflag:s21] =	ssyncset.done $0x0  }
0x17c: {  	[sflag:s21] =	ssyncadd.s32 $0xFFFFF9C0  }
0x17d: {  	[spmem:s2] =	stream.indirect.scatter.add.f32 [tilespmem:s15], [sflag:$0x7], $0x10, s0, s12, $0xb8;
	[tilespmem:$0x5140] =	vst v63  }
0x17e: {  	_ =	swait.ge [sflag:s23], $0x640  }
0x17f: {  	[sflag:s23] =	ssyncset.done $0x0  }
0x180: {  	[sflag:s23] =	ssyncadd.s32 $0xFFFFF9C0  }
0x181: {  	[spmem:s2] =	stream.indirect.scatter.add.f32 [tilespmem:s16], [sflag:$0x8], $0x10, s5, s12, $0xb8;
	[tilespmem:$0x5140] =	vst v63  }
0x182: {  	_ =	swait.ge [sflag:s18], $0x640  }
0x183: {  	[sflag:s18] =	ssyncset.done $0x0  }
0x184: {  	[sflag:s18] =	ssyncadd.s32 $0xFFFFF9C0  }
0x185: {  	_ =	swait.ge [sflag:s20], $0x640  }
0x186: {  	[sflag:s20] =	ssyncset.done $0x0  }
0x187: {  	p0 =	sne.s32 s6, $0x410;
	[sflag:s20] =	ssyncadd.s32 $0xFFFFF9C0  }
.Ltmp0:
0x188: {  	_ =	swait.ge [sflag:s22], $0x640;
	(pc) =	sbr.rel @p0 .LBB2_2-.Ltmp0, $4  }
0x189: {  	[sflag:s22] =	ssyncset.done $0x0  }
0x18a: {  	[sflag:s22] =	ssyncadd.s32 $0xFFFFF9C0  }
0x18b: {  	_ =	swait.ge [sflag:s24], $0x640  }
0x18c: {  	s6 =	sadd.s32 $0x104, s6;
	s9 =	rddreg [dreg:$0x4];
	[sflag:s24] =	ssyncset.done $0x0  }
0x18d: {  	[sflag:s24] =	ssyncadd.s32 $0xFFFFF9C0;
	s6 =	sadd.s32 s8, s9  }
0x18e: {  	[tilespmem:s3], [sflag:$0x9] =	stream.linear.gather [hbm4b:s6+s3], $0x820, $0x38;
	[tilespmem:$0x5140] =	vst v63  }
0x18f: {  	_ =	swait.ge [sflag:s10], $0x820  }
0x190: {  	s7 =	rddreg [dreg:$0x3];
	[sflag:s10] =	ssyncset.done $0x0  }
0x191: {  	[sflag:s10] =	ssyncadd.s32 $0xFFFFF7E0;
	s6 =	sadd.s32 s8, s7  }
0x192: {  	[tilespmem:s11], [sflag:$0x9] =	stream.linear.gather [hbm4b:s6+s3], $0x820, $0x38;
	[tilespmem:$0x5140] =	vst v63  }
0x193: {  	_ =	swait.ge [sflag:s10], $0x820  }
0x194: {  	[sflag:s10] =	ssyncset.done $0x0  }
0x195: {  	[sflag:s10] =	ssyncadd.s32 $0xFFFFF7E0  }
0x196: {  	[tilespmem:s13], [sflag:$0x1] =	stream.indirect.gather [hbm4b:s4+s12], $0x10, s3, s12, $0xb8;
	[tilespmem:$0x5140] =	vst v63  }
0x197: {  	s8 =	rddreg [dreg:$0x5]  }
0x198: {  	[tilespmem:s14], [sflag:$0x2] =	stream.indirect.gather [hbm4b:s4+s12], $0x10, s8, s12, $0xb8;
	[tilespmem:$0x5140] =	vst v63  }
0x199: {  	s7 =	rddreg [dreg:$0x6]  }
0x19a: {  	[tilespmem:s15], [sflag:$0x3] =	stream.indirect.gather [hbm4b:s4+s12], $0x10, s7, s12, $0xb8;
	[tilespmem:$0x5140] =	vst v63  }
0x19b: {  	s9 =	rddreg [dreg:$0x7]  }
0x19c: {  	[tilespmem:s16], [sflag:$0x4] =	stream.indirect.gather [hbm4b:s4+s12], $0x10, s9, s12, $0xb8;
	[tilespmem:$0x5140] =	vst v63  }
0x19d: {  	_ =	swait.ge [sflag:s17], $0x640  }
0x19e: {  	[sflag:s17] =	ssyncset.done $0x0  }
0x19f: {  	[sflag:s17] =	ssyncadd.s32 $0xFFFFF9C0  }
0x1a0: {  	[spmem:s2] =	stream.indirect.scatter.add.f32 [tilespmem:s13], [sflag:$0x5], $0x10, s11, s12, $0xb8;
	[tilespmem:$0x5140] =	vst v63  }
0x1a1: {  	_ =	swait.ge [sflag:s18], $0x640  }
0x1a2: {  	[sflag:s18] =	ssyncset.done $0x0  }
0x1a3: {  	s7 =	rddreg [dreg:$0x8];
	[sflag:s18] =	ssyncadd.s32 $0xFFFFF9C0  }
0x1a4: {  	[tilespmem:s13], [sflag:$0x1] =	stream.indirect.gather [hbm4b:s4+s12], $0x10, s7, s12, $0xb8;
	[tilespmem:$0x5140] =	vst v63  }
0x1a5: {  	_ =	swait.ge [sflag:s19], $0x640  }
0x1a6: {  	[sflag:s19] =	ssyncset.done $0x0  }
0x1a7: {  	s8 =	rddreg [dreg:$0x9];
	[sflag:s19] =	ssyncadd.s32 $0xFFFFF9C0  }
0x1a8: {  	[spmem:s2] =	stream.indirect.scatter.add.f32 [tilespmem:s14], [sflag:$0x6], $0x10, s8, s12, $0xb8;
	[tilespmem:$0x5140] =	vst v63  }
0x1a9: {  	_ =	swait.ge [sflag:s20], $0x640  }
0x1aa: {  	[sflag:s20] =	ssyncset.done $0x0  }
0x1ab: {  	s9 =	rddreg [dreg:$0xa];
	[sflag:s20] =	ssyncadd.s32 $0xFFFFF9C0  }
0x1ac: {  	[tilespmem:s14], [sflag:$0x2] =	stream.indirect.gather [hbm4b:s4+s12], $0x10, s9, s12, $0xb8;
	[tilespmem:$0x5140] =	vst v63  }
0x1ad: {  	_ =	swait.ge [sflag:s21], $0x640  }
0x1ae: {  	[sflag:s21] =	ssyncset.done $0x0  }
0x1af: {  	s7 =	rddreg [dreg:$0xb];
	[sflag:s21] =	ssyncadd.s32 $0xFFFFF9C0  }
0x1b0: {  	[spmem:s2] =	stream.indirect.scatter.add.f32 [tilespmem:s15], [sflag:$0x7], $0x10, s7, s12, $0xb8;
	[tilespmem:$0x5140] =	vst v63  }
0x1b1: {  	_ =	swait.ge [sflag:s22], $0x640  }
0x1b2: {  	[sflag:s22] =	ssyncset.done $0x0  }
0x1b3: {  	s8 =	rddreg [dreg:$0xc];
	[sflag:s22] =	ssyncadd.s32 $0xFFFFF9C0  }
0x1b4: {  	[tilespmem:s15], [sflag:$0x3] =	stream.indirect.gather [hbm4b:s4+s12], $0x10, s8, s12, $0xb8;
	[tilespmem:$0x5140] =	vst v63  }
0x1b5: {  	_ =	swait.ge [sflag:s23], $0x640  }
0x1b6: {  	[sflag:s23] =	ssyncset.done $0x0  }
0x1b7: {  	s9 =	rddreg [dreg:$0xd];
	[sflag:s23] =	ssyncadd.s32 $0xFFFFF9C0  }
0x1b8: {  	[spmem:s2] =	stream.indirect.scatter.add.f32 [tilespmem:s16], [sflag:$0x8], $0x10, s9, s12, $0xb8;
	[tilespmem:$0x5140] =	vst v63  }
0x1b9: {  	_ =	swait.ge [sflag:s24], $0x640  }
0x1ba: {  	[sflag:s24] =	ssyncset.done $0x0  }
0x1bb: {  	s7 =	rddreg [dreg:$0xe];
	[sflag:s24] =	ssyncadd.s32 $0xFFFFF9C0  }
0x1bc: {  	[tilespmem:s16], [sflag:$0x4] =	stream.indirect.gather [hbm4b:s4+s12], $0x10, s7, s12, $0xb8;
	[tilespmem:$0x5140] =	vst v63  }
0x1bd: {  	_ =	swait.ge [sflag:s17], $0x640  }
0x1be: {  	[sflag:s17] =	ssyncset.done $0x0  }
0x1bf: {  	s8 =	rddreg [dreg:$0xf];
	[sflag:s17] =	ssyncadd.s32 $0xFFFFF9C0  }
0x1c0: {  	[spmem:s2] =	stream.indirect.scatter.add.f32 [tilespmem:s13], [sflag:$0x5], $0x10, s8, s12, $0xb8;
	[tilespmem:$0x5140] =	vst v63  }
0x1c1: {  	_ =	swait.ge [sflag:s18], $0x640  }
0x1c2: {  	[sflag:s18] =	ssyncset.done $0x0  }
0x1c3: {  	s9 =	rddreg [dreg:$0x10];
	[sflag:s18] =	ssyncadd.s32 $0xFFFFF9C0  }
0x1c4: {  	[tilespmem:s13], [sflag:$0x1] =	stream.indirect.gather [hbm4b:s4+s12], $0x10, s9, s12, $0xb8;
	[tilespmem:$0x5140] =	vst v63  }
0x1c5: {  	_ =	swait.ge [sflag:s19], $0x640  }
0x1c6: {  	[sflag:s19] =	ssyncset.done $0x0  }
0x1c7: {  	s7 =	rddreg [dreg:$0x11];
	[sflag:s19] =	ssyncadd.s32 $0xFFFFF9C0  }
0x1c8: {  	[spmem:s2] =	stream.indirect.scatter.add.f32 [tilespmem:s14], [sflag:$0x6], $0x10, s7, s12, $0xb8;
	[tilespmem:$0x5140] =	vst v63  }
0x1c9: {  	_ =	swait.ge [sflag:s20], $0x640  }
0x1ca: {  	[sflag:s20] =	ssyncset.done $0x0  }
0x1cb: {  	s8 =	rddreg [dreg:$0x12];
	[sflag:s20] =	ssyncadd.s32 $0xFFFFF9C0  }
0x1cc: {  	[tilespmem:s14], [sflag:$0x2] =	stream.indirect.gather [hbm4b:s4+s12], $0x10, s8, s12, $0xb8;
	[tilespmem:$0x5140] =	vst v63  }
0x1cd: {  	_ =	swait.ge [sflag:s21], $0x640  }
0x1ce: {  	[sflag:s21] =	ssyncset.done $0x0  }
0x1cf: {  	s9 =	rddreg [dreg:$0x13];
	[sflag:s21] =	ssyncadd.s32 $0xFFFFF9C0  }
0x1d0: {  	[spmem:s2] =	stream.indirect.scatter.add.f32 [tilespmem:s15], [sflag:$0x7], $0x10, s9, s12, $0xb8;
	[tilespmem:$0x5140] =	vst v63  }
0x1d1: {  	_ =	swait.ge [sflag:s22], $0x640  }
0x1d2: {  	[sflag:s22] =	ssyncset.done $0x0  }
0x1d3: {  	s7 =	rddreg [dreg:$0x14];
	[sflag:s22] =	ssyncadd.s32 $0xFFFFF9C0  }
0x1d4: {  	[tilespmem:s15], [sflag:$0x3] =	stream.indirect.gather [hbm4b:s4+s12], $0x10, s7, s12, $0xb8;
	[tilespmem:$0x5140] =	vst v63  }
0x1d5: {  	_ =	swait.ge [sflag:s23], $0x640  }
0x1d6: {  	[sflag:s23] =	ssyncset.done $0x0  }
0x1d7: {  	s8 =	rddreg [dreg:$0x15];
	[sflag:s23] =	ssyncadd.s32 $0xFFFFF9C0  }
0x1d8: {  	[spmem:s2] =	stream.indirect.scatter.add.f32 [tilespmem:s16], [sflag:$0x8], $0x10, s8, s12, $0xb8;
	[tilespmem:$0x5140] =	vst v63  }
0x1d9: {  	_ =	swait.ge [sflag:s24], $0x640  }
0x1da: {  	[sflag:s24] =	ssyncset.done $0x0  }
0x1db: {  	s9 =	rddreg [dreg:$0x16];
	[sflag:s24] =	ssyncadd.s32 $0xFFFFF9C0  }
0x1dc: {  	[tilespmem:s16], [sflag:$0x4] =	stream.indirect.gather [hbm4b:s4+s12], $0x10, s9, s12, $0xb8;
	[tilespmem:$0x5140] =	vst v63  }
0x1dd: {  	_ =	swait.ge [sflag:s17], $0x640  }
0x1de: {  	[sflag:s17] =	ssyncset.done $0x0  }
0x1df: {  	s7 =	rddreg [dreg:$0x17];
	[sflag:s17] =	ssyncadd.s32 $0xFFFFF9C0  }
0x1e0: {  	[spmem:s2] =	stream.indirect.scatter.add.f32 [tilespmem:s13], [sflag:$0x5], $0x10, s7, s12, $0xb8;
	[tilespmem:$0x5140] =	vst v63  }
0x1e1: {  	_ =	swait.ge [sflag:s18], $0x640  }
0x1e2: {  	[sflag:s18] =	ssyncset.done $0x0  }
0x1e3: {  	s8 =	rddreg [dreg:$0x18];
	[sflag:s18] =	ssyncadd.s32 $0xFFFFF9C0  }
0x1e4: {  	[tilespmem:s13], [sflag:$0x1] =	stream.indirect.gather [hbm4b:s4+s12], $0x10, s8, s12, $0xb8;
	[tilespmem:$0x5140] =	vst v63  }
0x1e5: {  	_ =	swait.ge [sflag:s19], $0x640  }
0x1e6: {  	[sflag:s19] =	ssyncset.done $0x0  }
0x1e7: {  	s9 =	rddreg [dreg:$0x19];
	[sflag:s19] =	ssyncadd.s32 $0xFFFFF9C0  }
0x1e8: {  	[spmem:s2] =	stream.indirect.scatter.add.f32 [tilespmem:s14], [sflag:$0x6], $0x10, s9, s12, $0xb8;
	[tilespmem:$0x5140] =	vst v63  }
0x1e9: {  	_ =	swait.ge [sflag:s20], $0x640  }
0x1ea: {  	[sflag:s20] =	ssyncset.done $0x0  }
0x1eb: {  	s7 =	rddreg [dreg:$0x1a];
	[sflag:s20] =	ssyncadd.s32 $0xFFFFF9C0  }
0x1ec: {  	[tilespmem:s14], [sflag:$0x2] =	stream.indirect.gather [hbm4b:s4+s12], $0x10, s7, s12, $0xb8;
	[tilespmem:$0x5140] =	vst v63  }
0x1ed: {  	_ =	swait.ge [sflag:s21], $0x640  }
0x1ee: {  	[sflag:s21] =	ssyncset.done $0x0  }
0x1ef: {  	s8 =	rddreg [dreg:$0x1b];
	[sflag:s21] =	ssyncadd.s32 $0xFFFFF9C0  }
0x1f0: {  	[spmem:s2] =	stream.indirect.scatter.add.f32 [tilespmem:s15], [sflag:$0x7], $0x10, s8, s12, $0xb8;
	[tilespmem:$0x5140] =	vst v63  }
0x1f1: {  	_ =	swait.ge [sflag:s22], $0x640  }
0x1f2: {  	[sflag:s22] =	ssyncset.done $0x0  }
0x1f3: {  	s9 =	rddreg [dreg:$0x1c];
	[sflag:s22] =	ssyncadd.s32 $0xFFFFF9C0  }
0x1f4: {  	[tilespmem:s15], [sflag:$0x3] =	stream.indirect.gather [hbm4b:s4+s12], $0x10, s9, s12, $0xb8;
	[tilespmem:$0x5140] =	vst v63  }
0x1f5: {  	_ =	swait.ge [sflag:s23], $0x640  }
0x1f6: {  	[sflag:s23] =	ssyncset.done $0x0  }
0x1f7: {  	s7 =	rddreg [dreg:$0x1d];
	[sflag:s23] =	ssyncadd.s32 $0xFFFFF9C0  }
0x1f8: {  	[spmem:s2] =	stream.indirect.scatter.add.f32 [tilespmem:s16], [sflag:$0x8], $0x10, s7, s12, $0xb8;
	[tilespmem:$0x5140] =	vst v63  }
0x1f9: {  	_ =	swait.ge [sflag:s24], $0x640  }
0x1fa: {  	[sflag:s24] =	ssyncset.done $0x0  }
0x1fb: {  	s8 =	rddreg [dreg:$0x1e];
	[sflag:s24] =	ssyncadd.s32 $0xFFFFF9C0  }
0x1fc: {  	[tilespmem:s16], [sflag:$0x4] =	stream.indirect.gather [hbm4b:s4+s12], $0x10, s8, s12, $0xb8;
	[tilespmem:$0x5140] =	vst v63  }
0x1fd: {  	_ =	swait.ge [sflag:s17], $0x640  }
0x1fe: {  	[sflag:s17] =	ssyncset.done $0x0  }
0x1ff: {  	s9 =	rddreg [dreg:$0x1f];
	[sflag:s17] =	ssyncadd.s32 $0xFFFFF9C0  }
0x200: {  	[spmem:s2] =	stream.indirect.scatter.add.f32 [tilespmem:s13], [sflag:$0x5], $0x10, s9, s12, $0xb8;
	[tilespmem:$0x5140] =	vst v63  }
0x201: {  	_ =	swait.ge [sflag:s18], $0x640  }
0x202: {  	s7 =	sld [smem:$0x7FA]  }
0x203: {  	[sflag:s18] =	ssyncset.done $0x0  }
0x204: {  	[sflag:s18] =	ssyncadd.s32 $0xFFFFF9C0  }
0x205: {  	[tilespmem:s13], [sflag:$0x1] =	stream.indirect.gather [hbm4b:s4+s12], $0x10, s7, s12, $0xb8;
	[tilespmem:$0x5140] =	vst v63  }
0x206: {  	_ =	swait.ge [sflag:s19], $0x640  }
0x207: {  	s8 =	sld [smem:$0x7FB]  }
0x208: {  	[sflag:s19] =	ssyncset.done $0x0  }
0x209: {  	[sflag:s19] =	ssyncadd.s32 $0xFFFFF9C0  }
0x20a: {  	[spmem:s2] =	stream.indirect.scatter.add.f32 [tilespmem:s14], [sflag:$0x6], $0x10, s8, s12, $0xb8;
	[tilespmem:$0x5140] =	vst v63  }
0x20b: {  	_ =	swait.ge [sflag:s20], $0x640  }
0x20c: {  	[sflag:s20] =	ssyncset.done $0x0  }
0x20d: {  	[sflag:s20] =	ssyncadd.s32 $0xFFFFF9C0  }
0x20e: {  	[tilespmem:s14], [sflag:$0x2] =	stream.indirect.gather [hbm4b:s4+s12], $0x10, s25, s12, $0xb8;
	[tilespmem:$0x5140] =	vst v63  }
0x20f: {  	_ =	swait.ge [sflag:s21], $0x640  }
0x210: {  	[sflag:s21] =	ssyncset.done $0x0  }
0x211: {  	[sflag:s21] =	ssyncadd.s32 $0xFFFFF9C0  }
0x212: {  	[spmem:s2] =	stream.indirect.scatter.add.f32 [tilespmem:s15], [sflag:$0x7], $0x10, s26, s12, $0xb8;
	[tilespmem:$0x5140] =	vst v63  }
0x213: {  	_ =	swait.ge [sflag:s22], $0x640  }
0x214: {  	[sflag:s22] =	ssyncset.done $0x0  }
0x215: {  	[sflag:s22] =	ssyncadd.s32 $0xFFFFF9C0  }
0x216: {  	[tilespmem:s15], [sflag:$0x3] =	stream.indirect.gather [hbm4b:s4+s12], $0x10, s28, s12, $0xb8;
	[tilespmem:$0x5140] =	vst v63  }
0x217: {  	_ =	swait.ge [sflag:s23], $0x640  }
0x218: {  	[sflag:s23] =	ssyncset.done $0x0  }
0x219: {  	[sflag:s23] =	ssyncadd.s32 $0xFFFFF9C0  }
0x21a: {  	[spmem:s2] =	stream.indirect.scatter.add.f32 [tilespmem:s16], [sflag:$0x8], $0x10, s29, s12, $0xb8;
	[tilespmem:$0x5140] =	vst v63  }
0x21b: {  	_ =	swait.ge [sflag:s24], $0x640  }
0x21c: {  	[sflag:s24] =	ssyncset.done $0x0  }
0x21d: {  	[sflag:s24] =	ssyncadd.s32 $0xFFFFF9C0  }
0x21e: {  	[tilespmem:s16], [sflag:$0x4] =	stream.indirect.gather [hbm4b:s4+s12], $0x10, s30, s12, $0xb8;
	[tilespmem:$0x5140] =	vst v63  }
0x21f: {  	_ =	swait.ge [sflag:s17], $0x640  }
0x220: {  	[sflag:s17] =	ssyncset.done $0x0  }
0x221: {  	[sflag:s17] =	ssyncadd.s32 $0xFFFFF9C0  }
0x222: {  	[spmem:s2] =	stream.indirect.scatter.add.f32 [tilespmem:s13], [sflag:$0x5], $0x10, s31, s12, $0xb8;
	[tilespmem:$0x5140] =	vst v63  }
0x223: {  	_ =	swait.ge [sflag:s19], $0x640  }
0x224: {  	[sflag:s19] =	ssyncset.done $0x0  }
0x225: {  	[sflag:s19] =	ssyncadd.s32 $0xFFFFF9C0  }
0x226: {  	[spmem:s2] =	stream.indirect.scatter.add.f32 [tilespmem:s14], [sflag:$0x6], $0x10, s1, s12, $0xb8;
	[tilespmem:$0x5140] =	vst v63  }
0x227: {  	_ =	swait.ge [sflag:s21], $0x640  }
0x228: {  	[sflag:s21] =	ssyncset.done $0x0  }
0x229: {  	[sflag:s21] =	ssyncadd.s32 $0xFFFFF9C0  }
0x22a: {  	[spmem:s2] =	stream.indirect.scatter.add.f32 [tilespmem:s15], [sflag:$0x7], $0x10, s0, s12, $0xb8;
	[tilespmem:$0x5140] =	vst v63  }
0x22b: {  	_ =	swait.ge [sflag:s23], $0x640  }
0x22c: {  	[sflag:s23] =	ssyncset.done $0x0  }
0x22d: {  	[sflag:s23] =	ssyncadd.s32 $0xFFFFF9C0  }
0x22e: {  	[spmem:s2] =	stream.indirect.scatter.add.f32 [tilespmem:s16], [sflag:$0x8], $0x10, s5, s12, $0xb8;
	[tilespmem:$0x5140] =	vst v63  }
0x22f: {  	_ =	swait.ge [sflag:s18], $0x640  }
0x230: {  	[sflag:s18] =	ssyncset.done $0x0  }
0x231: {  	[sflag:s18] =	ssyncadd.s32 $0xFFFFF9C0  }
0x232: {  	_ =	swait.ge [sflag:s20], $0x640  }
0x233: {  	[sflag:s20] =	ssyncset.done $0x0  }
0x234: {  	[sflag:s20] =	ssyncadd.s32 $0xFFFFF9C0  }
0x235: {  	_ =	swait.ge [sflag:s22], $0x640  }
0x236: {  	[sflag:s22] =	ssyncset.done $0x0  }
0x237: {  	[sflag:s22] =	ssyncadd.s32 $0xFFFFF9C0  }
0x238: {  	_ =	swait.ge [sflag:s24], $0x640  }
0x239: {  	[sflag:s24] =	ssyncset.done $0x0  }
0x23a: {  	[sflag:s24] =	ssyncadd.s32 $0xFFFFF9C0  }
0x23b: {  	[bflag:$0x0] =	sbarrier.arrive $0xFFFF  }
0x23c: {  	s7 =	sld [smem:$0x7FC]  }
0x23d: {  	s9 =	sld [smem:$0x7F8]  }
0x23e: {  	s8 =	sld [smem:$0x7FD];
	_ =	sdelay $0x2  }
0x23f: {  	[hbm:s9], [sflag:s7] =	dma.local [spmem:s8], $0x500  }
0x240: {  	_ =	swait.ge [sflag:s10], $0x500  }
0x241: {  	s6 =	sld [smem:$0x7F6];
	_ =	sdelay $0x2  }
0x242: {  	s9 =	sadd.s32 $0x1, s6;
	s6 =	sld [smem:$0x7F9];
	_ =	sdelay $0x2  }
0x243: {  	p0 =	sne.s32 s9, s6  }
.Ltmp1:
0x244: {  	_ = 	snop;
	(pc) =	sbr.rel @p0 .LBB2_1-.Ltmp1, $3  }
0x245: {  	_ =	sdelay $0x1  }
0x246: {  	[sflag:s10] =	ssyncset.done $0x0  }
0x247: {  	[sflag:s10] =	ssyncadd.s32 $0xFFFFFB00  }
0x248: {  	_ =	sfence.sel $0x180000  }
0x249: {  	[bflag:$0x0] =	sbarrier.arrive $0xFFFF  }
0x24a: {  	_ =	strace $0x9000004A  }
0x24b: {  	s0 =	stileid.u32;
	[bflag:$0x2] =	sbarrier.arrive $0xFFFF  }
0x24c: {  	p0 =	sne.s32 s0, $0x0;
	s0 =	rddreg [dreg:$0x2]  }
0x24d: {  	s0 =	sadd.s32 @!p0 $0x100000, s0  }
0x24e: {  	[sflag:s0] =	ssyncadd.tile.s32 @!p0 $0x1;
	_ =	shalt  }
.Lfunc_end2:
_tile_overlayer_lowered:
.L_overlay_start_2:
0x24f: {  	(tag) =	ssettag $0x2  }
0x250: {  	s0 =	rddreg [dreg:$0x0];
	s2 =	stileid.u32  }
0x251: {  	s1 =	rddreg [dreg:$0x1];
	p0 =	sne.s32 s2, $0x0  }
0x252: {  	s3 =	rddreg [dreg:$0x2];
	[bflag:$0x3] =	sbarrier.arrive $0xFFFF;
	s2 =	simm.s32 @!p0 $0x1C09  }
0x253: {  	[timem:s3], [sflag:s2] =	dma.local @!p0 [hbm:s0], s1  }
0x254: {  	s0 =	simm.s32 @!p0 $0x9  }
0x255: {  	_ =	swait.ge @!p0 [sflag:s0], s1  }
0x256: {  	s1 =	ssub.s32 @!p0 $0x0, s1;
	[sflag:s0] =	ssyncset.done @!p0 $0x0  }
0x257: {  	[sflag:s0] =	ssyncadd.s32 @!p0 s1  }
0x258: {  	[bflag:$0x3] =	sbarrier.arrive $0xFFFF  }
0x259: {  	_ =	shalt  }

</sc_bundles>
